<compile_context>
chip_gen: v7x
topology: tpu7x:2x2x1
jax: 0.10.2.dev20260603
libtpu: 0.0.44.dev20260713+nightly
codegen_flags: <defaults>
</compile_context>

<pallas_src>
import functools

import jax
import jax.numpy as jnp
from jax import lax
from jax.experimental import pallas as pl
from jax.experimental.pallas import tpu as pltpu
from jax.experimental.pallas import tpu_sc as plsc

N = 10000
E = 320000
D = 128
H = 128
C = 10
G = 64

NC, NS, L = 2, 16, 16
NW = NC * NS
NPAD = 10240
FPT = H // NW
PAD_ROW = N

DCHUNK = 128
DNCH = 80
EPW = DNCH * DCHUNK
EPAD = NW * EPW

ECHUNK = 4096
ENCH = EPAD // ECHUNK
NGRP = ECHUNK // L
ESPT = EPAD // NS

_mesh = plsc.VectorSubcoreMesh(core_axis_name="c", subcore_axis_name="s",
                               num_cores=NC, num_subcores=NS)


@functools.partial(
    pl.kernel,
    out_type=jax.ShapeDtypeStruct((NC * NPAD,), jnp.float32),
    mesh=_mesh,
    scratch_types=[
        pltpu.VMEM((DNCH, DCHUNK), jnp.int32),
        pltpu.VMEM((DCHUNK,), jnp.float32),
        pltpu.VMEM((NPAD // NS,), jnp.float32),
        pltpu.SemaphoreType.DMA,
        pltpu.VMEM_SHARED((NPAD,), jnp.float32),
    ],
)
def _deg_kernel(dst_hbm, out_hbm, dsts, onesv, zv, dsem, acc):
    cid = lax.axis_index("c")
    sid = lax.axis_index("s")
    wid = cid * NS + sid
    rpt = NPAD // NS
    for j in range(DCHUNK // L):
        onesv[pl.ds(j * L, L)] = jnp.ones((L,), jnp.float32)

    def zb(i, c):
        zv[pl.ds(i * L, L)] = jnp.zeros((L,), jnp.float32)
        return c

    lax.fori_loop(0, rpt // L, zb, 0)
    pltpu.sync_copy(zv, acc.at[pl.ds(sid * rpt, rpt)])
    pltpu.sync_copy(dst_hbm.at[wid], dsts)
    plsc.subcore_barrier()

    def body(i, c):
        pltpu.async_copy(onesv, acc.at[dsts.at[i]], dsem, add=True)
        return c

    lax.fori_loop(0, DNCH, body, 0)

    def drain(i, c):
        pltpu.make_async_copy(out_hbm.at[pl.ds(0, DCHUNK)], onesv,
                              dsem).wait()
        return c

    lax.fori_loop(0, DNCH, drain, 0)
    plsc.subcore_barrier()
    pltpu.sync_copy(acc.at[pl.ds(sid * rpt, rpt)],
                    out_hbm.at[pl.ds(cid * NPAD + sid * rpt, rpt)])


@functools.partial(
    pl.kernel,
    out_type=jax.ShapeDtypeStruct((H * NPAD,), jnp.float32),
    mesh=_mesh,
    scratch_types=[
        pltpu.VMEM((FPT // 2 * NPAD,), jnp.float32),
        pltpu.VMEM((FPT * NPAD,), jnp.float32),
        [pltpu.VMEM((ECHUNK,), jnp.int32)] * 2,
        [pltpu.VMEM((ECHUNK,), jnp.int32)] * 2,
        [pltpu.SemaphoreType.DMA] * 2,
        pltpu.VMEM_SHARED((EPAD,), jnp.int32),
        pltpu.VMEM_SHARED((EPAD,), jnp.int32),
    ],
    compiler_params=pltpu.CompilerParams(needs_layout_passes=False),
)
def _edge_aggregate(ht_hbm, src_hbm, dst_hbm, out_hbm,
                    hloc, acc, ibs, ibd, isem, ssrc, sdst):
    cid = lax.axis_index("c")
    sid = lax.axis_index("s")
    wid = cid * NS + sid
    fbase = wid * FPT * NPAD
    pbase = wid * (FPT // 2) * NPAD

    pltpu.sync_copy(src_hbm.at[pl.ds(sid * ESPT, ESPT)],
                    ssrc.at[pl.ds(sid * ESPT, ESPT)])
    pltpu.sync_copy(dst_hbm.at[pl.ds(sid * ESPT, ESPT)],
                    sdst.at[pl.ds(sid * ESPT, ESPT)])
    pltpu.sync_copy(ht_hbm.at[pl.ds(pbase, FPT // 2 * NPAD)], hloc)

    def zb(i, c):
        acc[pl.ds(i * L, L)] = jnp.zeros((L,), jnp.float32)
        return c

    lax.fori_loop(0, FPT * NPAD // L, zb, 0)
    plsc.subcore_barrier()

    def _fire_idx(k, r):
        pltpu.async_copy(ssrc.at[pl.ds(k * ECHUNK, ECHUNK)], ibs[r], isem[r])
        pltpu.async_copy(sdst.at[pl.ds(k * ECHUNK, ECHUNK)], ibd[r], isem[r])

    def _wait_idx(r):
        for _ in range(2):
            pltpu.make_async_copy(src_hbm.at[pl.ds(0, ECHUNK)], ibs[r],
                                  isem[r]).wait()

    _fire_idx(0, 0)

    fofs = [jnp.full((L,), f * NPAD, jnp.int32) for f in range(FPT)]
    pofs = [jnp.full((L,), p * NPAD, jnp.int32) for p in range(FPT // 2)]

    def chunk_body(k, c):
        for r in range(2):
            @pl.when(k % 2 == r)
            def _():
                _wait_idx(r)

                @pl.when(k + 1 < ENCH)
                def _():
                    _fire_idx(k + 1, 1 - r)

                def grp(g, cc):
                    vals = []
                    for u in range(4):
                        srcv = ibs[r][pl.ds((g * 4 + u) * L, L)]
                        dstv = ibd[r][pl.ds((g * 4 + u) * L, L)]
                        ws = [plsc.load_gather(hloc, [srcv + pofs[p]])
                              for p in range(FPT // 2)]
                        vals.append((dstv, ws))
                    for dstv, ws in vals:
                        for p in range(FPT // 2):
                            a, b = plsc.unpack(
                                plsc.bitcast(ws[p], jnp.bfloat16),
                                format=plsc.PackFormat.INTERLEAVED)
                            plsc.addupdate_scatter(
                                acc, [dstv + fofs[2 * p]], a)
                            plsc.addupdate_scatter(
                                acc, [dstv + fofs[2 * p + 1]], b)
                    return cc

                lax.fori_loop(0, NGRP // 4, grp, 0)
        return c

    lax.fori_loop(0, ENCH, chunk_body, 0)
    pltpu.sync_copy(acc, out_hbm.at[pl.ds(fbase, FPT * NPAD)])


def _stage1_body(degp, xt, w1t, dinv_out, h1t_out):
    deg = degp[0:1, :] + degp[1:2, :] + 1.0
    dinv = lax.rsqrt(deg)
    dinv_out[...] = jnp.broadcast_to(dinv, (8, NPAD))
    h1t_out[...] = jnp.dot(w1t[...], xt[...],
                           preferred_element_type=jnp.float32) * dinv


_stage1 = pl.pallas_call(
    _stage1_body,
    out_shape=[jax.ShapeDtypeStruct((8, NPAD), jnp.float32),
               jax.ShapeDtypeStruct((H, NPAD), jnp.float32)],
)


def _stage2_body(acct, h1t, dinv8, b1c, w2t, h2t_out):
    dinv = dinv8[0:1, :]
    z = (acct[...] + h1t[...]) * dinv + b1c[...]
    z = jnp.maximum(z, 0.0)
    h2t_out[...] = jnp.dot(w2t[...], z,
                           preferred_element_type=jnp.float32) * dinv


_stage2 = pl.pallas_call(
    _stage2_body,
    out_shape=jax.ShapeDtypeStruct((H, NPAD), jnp.float32),
)


def _stage3_body(acct, h2t, dinv8, b2c, batch8, wl, bl, out):
    z = (acct[...] + h2t[...]) * dinv8[0:1, :] + b2c[...]
    ids = batch8[0:1, :]
    seg = lax.broadcasted_iota(jnp.int32, (G, NPAD), 0)
    oht = (seg == ids).astype(jnp.float32)
    sums = lax.dot_general(oht, z, (((1,), (1,)), ((), ())),
                           preferred_element_type=jnp.float32)
    counts = jnp.sum(oht, axis=1, keepdims=True)
    pooled = sums / jnp.maximum(counts, 1.0)
    out[...] = jnp.dot(pooled, wl[...],
                       preferred_element_type=jnp.float32) + bl[...]


_stage3 = pl.pallas_call(
    _stage3_body,
    out_shape=jax.ShapeDtypeStruct((G, C), jnp.float32),
)


def kernel(x, edge_index, batch, W1, b1, W2, b2, Wl, bl):
    f32 = jnp.float32
    src = jnp.full((EPAD,), PAD_ROW, jnp.int32).at[:E].set(edge_index[0])
    dst = jnp.full((EPAD,), PAD_ROW, jnp.int32).at[:E].set(edge_index[1])
    dst_slab = dst.reshape(NW, DNCH, DCHUNK)
    xt = jnp.zeros((D, NPAD), f32).at[:, :N].set(x.T)
    bpad = jnp.pad(batch.astype(jnp.int32), (0, NPAD - N), constant_values=G)
    batch8 = jnp.broadcast_to(bpad[None, :], (8, NPAD))

    degp = _deg_kernel(dst_slab)
    degp8 = jnp.zeros((8, NPAD), f32).at[:2].set(degp.reshape(2, NPAD))

    def _pack(ht):
        hb = ht.astype(jnp.bfloat16).reshape(H // 2, 2, NPAD)
        hp = jax.lax.bitcast_convert_type(hb.transpose(0, 2, 1), f32)
        return hp.reshape(H // 2 * NPAD)

    dinv8, h1t = _stage1(degp8, xt, W1.T)
    acc1 = _edge_aggregate(_pack(h1t), src, dst).reshape(H, NPAD)
    h2t = _stage2(acc1, h1t, dinv8, b1.reshape(H, 1), W2.T)
    acc2 = _edge_aggregate(_pack(h2t), src, dst).reshape(H, NPAD)
    out = _stage3(acc2, h2t, dinv8, b2.reshape(H, 1), batch8,
                  Wl, bl.reshape(1, C))
    return out

# --- scband reference (transcript-rebuilt; emitter-appended) ---
"""Pipeline reference for scband-gcn-77936476553798 (READ-ONLY COPY).

The authoritative reference and input builder live on the scoring server;
editing this copy changes nothing except your own understanding.
"""

import jax, jax.numpy as jnp
import numpy as np

N = 10000
E = 320000
D = 128
H = 128
C = 10
G = 64


def setup_inputs(seed: int = 0) -> dict:
    key = jax.random.key(seed)
    ks = jax.random.split(key, 10)
    x = jax.random.normal(ks[0], (N, D), dtype=jnp.float32)
    edge_index = jax.random.randint(ks[1], (2, E), 0, N, dtype=jnp.int32)
    batch = jnp.sort(jax.random.randint(ks[2], (N,), 0, G, dtype=jnp.int32))
    W1 = jax.random.normal(ks[3], (D, H), dtype=jnp.float32) * 0.05
    b1 = jnp.zeros((H,), dtype=jnp.float32)
    W2 = jax.random.normal(ks[4], (H, H), dtype=jnp.float32) * 0.05
    b2 = jnp.zeros((H,), dtype=jnp.float32)
    Wl = jax.random.normal(ks[5], (H, C), dtype=jnp.float32) * 0.05
    bl = jnp.zeros((C,), dtype=jnp.float32)
    return {"x": x, "edge_index": edge_index, "batch": batch,
            "W1": W1, "b1": b1, "W2": W2, "b2": b2, "Wl": Wl, "bl": bl}


def gcn_conv(x, edge_index, W, b):
    # PyG GCNConv: add self-loops, symmetric degree normalization, then aggregate
    n = x.shape[0]
    loop = jnp.arange(n, dtype=edge_index.dtype)
    src = jnp.concatenate([edge_index[0], loop])
    dst = jnp.concatenate([edge_index[1], loop])
    ew = jnp.ones(src.shape[0], dtype=x.dtype)
    deg = jnp.zeros((n,), dtype=x.dtype).at[dst].add(ew)
    dinv = jnp.where(deg > 0, jax.lax.rsqrt(jnp.maximum(deg, 1e-12)), 0.0)
    norm = dinv[src] * ew * dinv[dst]
    h = x @ W
    msg = h[src] * norm[:, None]
    out = jnp.zeros((n, W.shape[1]), dtype=x.dtype).at[dst].add(msg)
    return out + b


def reference(x, edge_index, batch, W1, b1, W2, b2, Wl, bl):
    h = gcn_conv(x, edge_index, W1, b1)
    h = jax.nn.relu(h)
    h = gcn_conv(h, edge_index, W2, b2)
    # global_mean_pool over graph ids in `batch`
    sums = jax.ops.segment_sum(h, batch, num_segments=G)
    counts = jax.ops.segment_sum(jnp.ones((h.shape[0], 1), dtype=h.dtype), batch, num_segments=G)
    pooled = sums / jnp.maximum(counts, 1.0)
    # dropout p=0.2 is identity in eval mode
    return pooled @ Wl + bl

if __name__ == "__main__":
    import jax
    _d = setup_inputs()
    print(jax.jit(kernel)(*tuple(_d.values())))

</pallas_src>

<mosaic_0001>
#map = affine_map<(d0, d1) -> (0)>
module attributes {stable_mosaic.version = 14 : i64} {
  func.func @_edge_aggregate(%arg0: i32, %arg1: i32, %arg2: memref<655360xf32, #tpu.memory_space<hbm>>, %arg3: memref<327680xi32, #tpu.memory_space<hbm>>, %arg4: memref<327680xi32, #tpu.memory_space<hbm>>, %arg5: memref<1310720xf32, #tpu.memory_space<hbm>>, %arg6: memref<20480xf32, #tpu.memory_space<vmem>>, %arg7: memref<40960xf32, #tpu.memory_space<vmem>>, %arg8: memref<4096xi32, #tpu.memory_space<vmem>>, %arg9: memref<4096xi32, #tpu.memory_space<vmem>>, %arg10: memref<4096xi32, #tpu.memory_space<vmem>>, %arg11: memref<4096xi32, #tpu.memory_space<vmem>>, %arg12: memref<!tpu.dma_semaphore, #tpu.memory_space<semaphore_mem>>, %arg13: memref<!tpu.dma_semaphore, #tpu.memory_space<semaphore_mem>>, %arg14: memref<327680xi32, #tpu.memory_space<vmem_shared>>, %arg15: memref<327680xi32, #tpu.memory_space<vmem_shared>>) attributes {dimension_semantics = [#tpu.dimension_semantics<core_parallel>, #tpu.dimension_semantics<subcore_parallel>], iteration_bounds = array<i64: 2, 16>, scalar_prefetch = 0 : i64, scratch_operands = 10 : i64, tpu.core_type = #tpu.core_type<sc_vector_subcore>, window_params = [{transform_indices = #map}, {transform_indices = #map}, {transform_indices = #map}, {transform_indices = #map}]} {
    %mul3A = arith.constant 16 : i32
    %mul3A_0 = arith.muli %arg0, %mul3A : i32
    %add3A = arith.addi %mul3A_0, %arg1 : i32
    %mul3A_1 = arith.constant 4 : i32
    %mul3A_2 = arith.muli %add3A, %mul3A_1 : i32
    %mul3A_3 = arith.constant 10240 : i32
    %mul3A_4 = arith.muli %mul3A_2, %mul3A_3 : i32
    %mul3A_5 = arith.constant 2 : i32
    %mul3A_6 = arith.muli %add3A, %mul3A_5 : i32
    %mul3A_7 = arith.constant 10240 : i32
    %mul3A_8 = arith.muli %mul3A_6, %mul3A_7 : i32
    %mul3A_9 = arith.constant 20480 : i32
    %mul3A_10 = arith.muli %arg1, %mul3A_9 : i32
    %mul3A_11 = arith.constant 20480 : i32
    %mul3A_12 = arith.muli %arg1, %mul3A_11 : i32
    "tpu.region"() ({
      %run_scoped3A = tpu.sem_alloc : memref<!tpu.dma_semaphore, #tpu.memory_space<semaphore_mem>>
      %dma_start3A_46 = tpu.memref_slice %arg14[%mul3A_12] : memref<327680xi32, #tpu.memory_space<vmem_shared>> -> memref<20480xi32, #tpu.memory_space<vmem_shared>>
      %dma_start3A_47 = tpu.memref_slice %arg3[%mul3A_10] : memref<327680xi32, #tpu.memory_space<hbm>> -> memref<20480xi32, #tpu.memory_space<hbm>>
      tpu.enqueue_dma source(%dma_start3A_47 : memref<20480xi32, #tpu.memory_space<hbm>>) target(%dma_start3A_46 : memref<20480xi32, #tpu.memory_space<vmem_shared>>) target_semaphore(%run_scoped3A : memref<!tpu.dma_semaphore, #tpu.memory_space<semaphore_mem>>)
      %dma_wait3A = tpu.memref_slice %arg14[%mul3A_12] : memref<327680xi32, #tpu.memory_space<vmem_shared>> -> memref<20480xi32, #tpu.memory_space<vmem_shared>>
      %dma_wait3A_48 = tpu.memref_slice %arg3[%mul3A_10] : memref<327680xi32, #tpu.memory_space<hbm>> -> memref<20480xi32, #tpu.memory_space<hbm>>
      tpu.wait_dma2 semaphore(%run_scoped3A : memref<!tpu.dma_semaphore, #tpu.memory_space<semaphore_mem>>) src(%dma_wait3A_48 : memref<20480xi32, #tpu.memory_space<hbm>>) dst(%dma_wait3A : memref<20480xi32, #tpu.memory_space<vmem_shared>>)
      tpu.yield
    }) : () -> ()
    %mul3A_13 = arith.constant 20480 : i32
    %mul3A_14 = arith.muli %arg1, %mul3A_13 : i32
    %mul3A_15 = arith.constant 20480 : i32
    %mul3A_16 = arith.muli %arg1, %mul3A_15 : i32
    "tpu.region"() ({
      %run_scoped3A = tpu.sem_alloc : memref<!tpu.dma_semaphore, #tpu.memory_space<semaphore_mem>>
      %dma_start3A_46 = tpu.memref_slice %arg15[%mul3A_16] : memref<327680xi32, #tpu.memory_space<vmem_shared>> -> memref<20480xi32, #tpu.memory_space<vmem_shared>>
      %dma_start3A_47 = tpu.memref_slice %arg4[%mul3A_14] : memref<327680xi32, #tpu.memory_space<hbm>> -> memref<20480xi32, #tpu.memory_space<hbm>>
      tpu.enqueue_dma source(%dma_start3A_47 : memref<20480xi32, #tpu.memory_space<hbm>>) target(%dma_start3A_46 : memref<20480xi32, #tpu.memory_space<vmem_shared>>) target_semaphore(%run_scoped3A : memref<!tpu.dma_semaphore, #tpu.memory_space<semaphore_mem>>)
      %dma_wait3A = tpu.memref_slice %arg15[%mul3A_16] : memref<327680xi32, #tpu.memory_space<vmem_shared>> -> memref<20480xi32, #tpu.memory_space<vmem_shared>>
      %dma_wait3A_48 = tpu.memref_slice %arg4[%mul3A_14] : memref<327680xi32, #tpu.memory_space<hbm>> -> memref<20480xi32, #tpu.memory_space<hbm>>
      tpu.wait_dma2 semaphore(%run_scoped3A : memref<!tpu.dma_semaphore, #tpu.memory_space<semaphore_mem>>) src(%dma_wait3A_48 : memref<20480xi32, #tpu.memory_space<hbm>>) dst(%dma_wait3A : memref<20480xi32, #tpu.memory_space<vmem_shared>>)
      tpu.yield
    }) : () -> ()
    "tpu.region"() ({
      %run_scoped3A = tpu.sem_alloc : memref<!tpu.dma_semaphore, #tpu.memory_space<semaphore_mem>>
      %dma_start3A_46 = tpu.memref_slice %arg2[%mul3A_8] : memref<655360xf32, #tpu.memory_space<hbm>> -> memref<20480xf32, #tpu.memory_space<hbm>>
      %dma_start3A_47 = tpu.memref_slice %arg2[%mul3A_8] : memref<655360xf32, #tpu.memory_space<hbm>> -> memref<20480xf32, #tpu.memory_space<hbm>>
      tpu.enqueue_dma source(%dma_start3A_47 : memref<20480xf32, #tpu.memory_space<hbm>>) target(%arg6 : memref<20480xf32, #tpu.memory_space<vmem>>) target_semaphore(%run_scoped3A : memref<!tpu.dma_semaphore, #tpu.memory_space<semaphore_mem>>)
      %dma_wait3A = tpu.memref_slice %arg2[%mul3A_8] : memref<655360xf32, #tpu.memory_space<hbm>> -> memref<20480xf32, #tpu.memory_space<hbm>>
      %dma_wait3A_48 = tpu.memref_slice %arg2[%mul3A_8] : memref<655360xf32, #tpu.memory_space<hbm>> -> memref<20480xf32, #tpu.memory_space<hbm>>
      tpu.wait_dma2 semaphore(%run_scoped3A : memref<!tpu.dma_semaphore, #tpu.memory_space<semaphore_mem>>) src(%dma_wait3A_48 : memref<20480xf32, #tpu.memory_space<hbm>>) dst(%arg6 : memref<20480xf32, #tpu.memory_space<vmem>>)
      tpu.yield
    }) : () -> ()
    %scan3A = arith.constant 0 : i32
    %scan3A_17 = arith.constant 0 : i32
    %scan3A_18 = arith.constant 2560 : i32
    %scan3A_19 = arith.addi %scan3A_17, %scan3A_18 : i32
    %scan3A_20 = arith.constant 1 : i32
    scf.for %scan3A_46 = %scan3A_17 to %scan3A_19 step %scan3A_20  : i32 {
      %broadcast_in_dim3A_47 = arith.constant 0.000000e+00 : f32
      %broadcast_in_dim3A_48 = vector.broadcast %broadcast_in_dim3A_47 : f32 to vector<16xf32>
      %mul3A_49 = arith.constant 16 : i32
      %mul3A_50 = arith.muli %scan3A_46, %mul3A_49 : i32
      %swap3A = arith.index_cast %mul3A_50 : i32 to index
      %swap3A_51 = tpu.vector_load %arg7[%swap3A] {strides = array<i32>} : memref<40960xf32, #tpu.memory_space<vmem>>, vector<16xf32>,
      tpu.vector_store %arg7[%swap3A], %broadcast_in_dim3A_48 {strides = array<i32>} : memref<40960xf32, #tpu.memory_space<vmem>>, vector<16xf32>,
    }
    %scan3A_21 = arith.constant 2560 : i32
    %barrier3A = arith.constant 0 : index
    tpu.barrier barrier_id(%barrier3A)
    %dma_start3A = arith.constant 0 : i32
    %dma_start3A_22 = tpu.memref_slice %arg14[%dma_start3A] : memref<327680xi32, #tpu.memory_space<vmem_shared>> -> memref<4096xi32, #tpu.memory_space<vmem_shared>>
    %dma_start3A_23 = arith.constant 0 : i32
    %dma_start3A_24 = tpu.memref_slice %arg14[%dma_start3A_23] : memref<327680xi32, #tpu.memory_space<vmem_shared>> -> memref<4096xi32, #tpu.memory_space<vmem_shared>>
    tpu.enqueue_dma source(%dma_start3A_24 : memref<4096xi32, #tpu.memory_space<vmem_shared>>) target(%arg8 : memref<4096xi32, #tpu.memory_space<vmem>>) target_semaphore(%arg12 : memref<!tpu.dma_semaphore, #tpu.memory_space<semaphore_mem>>)
    %dma_start3A_25 = arith.constant 0 : i32
    %dma_start3A_26 = tpu.memref_slice %arg15[%dma_start3A_25] : memref<327680xi32, #tpu.memory_space<vmem_shared>> -> memref<4096xi32, #tpu.memory_space<vmem_shared>>
    %dma_start3A_27 = arith.constant 0 : i32
    %dma_start3A_28 = tpu.memref_slice %arg15[%dma_start3A_27] : memref<327680xi32, #tpu.memory_space<vmem_shared>> -> memref<4096xi32, #tpu.memory_space<vmem_shared>>
    tpu.enqueue_dma source(%dma_start3A_28 : memref<4096xi32, #tpu.memory_space<vmem_shared>>) target(%arg10 : memref<4096xi32, #tpu.memory_space<vmem>>) target_semaphore(%arg12 : memref<!tpu.dma_semaphore, #tpu.memory_space<semaphore_mem>>)
    %broadcast_in_dim3A = arith.constant 0 : i32
    %broadcast_in_dim3A_29 = vector.broadcast %broadcast_in_dim3A : i32 to vector<16xi32>
    %broadcast_in_dim3A_30 = arith.constant 10240 : i32
    %broadcast_in_dim3A_31 = vector.broadcast %broadcast_in_dim3A_30 : i32 to vector<16xi32>
    %broadcast_in_dim3A_32 = arith.constant 20480 : i32
    %broadcast_in_dim3A_33 = vector.broadcast %broadcast_in_dim3A_32 : i32 to vector<16xi32>
    %broadcast_in_dim3A_34 = arith.constant 30720 : i32
    %broadcast_in_dim3A_35 = vector.broadcast %broadcast_in_dim3A_34 : i32 to vector<16xi32>
    %broadcast_in_dim3A_36 = arith.constant 0 : i32
    %broadcast_in_dim3A_37 = vector.broadcast %broadcast_in_dim3A_36 : i32 to vector<16xi32>
    %broadcast_in_dim3A_38 = arith.constant 10240 : i32
    %broadcast_in_dim3A_39 = vector.broadcast %broadcast_in_dim3A_38 : i32 to vector<16xi32>
    %scan3A_40 = arith.constant 0 : i32
    %scan3A_41 = arith.constant 0 : i32
    %scan3A_42 = arith.constant 80 : i32
    %scan3A_43 = arith.addi %scan3A_41, %scan3A_42 : i32
    %scan3A_44 = arith.constant 1 : i32
    scf.for %scan3A_46 = %scan3A_41 to %scan3A_43 step %scan3A_44  : i32 {
      %jit3A = arith.constant 2 : i32
      %eq3A = arith.constant 0 : i32
      %eq3A_47 = arith.cmpi eq, %jit3A, %eq3A : i32
      %jit3A_48 = arith.constant 1 : i32
      %select_n3A = arith.select %eq3A_47, %jit3A_48, %jit3A : i32
      %rem3A = arith.remsi %scan3A_46, %select_n3A : i32
      %ne3A = arith.constant 0 : i32
      %ne3A_49 = arith.cmpi ne, %rem3A, %ne3A : i32
      %lt3A = arith.constant 0 : i32
      %lt3A_50 = arith.cmpi slt, %rem3A, %lt3A : i32
      %lt3A_51 = arith.constant 0 : i32
      %lt3A_52 = arith.cmpi slt, %select_n3A, %lt3A_51 : i32
      %ne3A_53 = arith.xori %lt3A_50, %lt3A_52 : i1
      %and3A = arith.andi %ne3A_53, %ne3A_49 : i1
      %add3A_54 = arith.addi %rem3A, %select_n3A : i32
      %select_n3A_55 = arith.select %and3A, %add3A_54, %rem3A : i32
      %eq3A_56 = arith.constant 0 : i32
      %eq3A_57 = arith.cmpi eq, %select_n3A_55, %eq3A_56 : i32
      %convert_element_type3A = arith.extui %eq3A_57 : i1 to i32
      %cond3A = arith.constant 0 : i32
      %cond3A_58 = arith.cmpi ne, %convert_element_type3A, %cond3A : i32
      scf.if %cond3A_58 {
        %dma_wait3A = arith.constant 0 : i32
        %dma_wait3A_80 = tpu.memref_slice %arg3[%dma_wait3A] : memref<327680xi32, #tpu.memory_space<hbm>> -> memref<4096xi32, #tpu.memory_space<hbm>>
        %dma_wait3A_81 = arith.constant 0 : i32
        %dma_wait3A_82 = tpu.memref_slice %arg3[%dma_wait3A_81] : memref<327680xi32, #tpu.memory_space<hbm>> -> memref<4096xi32, #tpu.memory_space<hbm>>
        tpu.wait_dma2 semaphore(%arg12 : memref<!tpu.dma_semaphore, #tpu.memory_space<semaphore_mem>>) src(%dma_wait3A_82 : memref<4096xi32, #tpu.memory_space<hbm>>) dst(%arg8 : memref<4096xi32, #tpu.memory_space<vmem>>)
        %dma_wait3A_83 = arith.constant 0 : i32
        %dma_wait3A_84 = tpu.memref_slice %arg3[%dma_wait3A_83] : memref<327680xi32, #tpu.memory_space<hbm>> -> memref<4096xi32, #tpu.memory_space<hbm>>
        %dma_wait3A_85 = arith.constant 0 : i32
        %dma_wait3A_86 = tpu.memref_slice %arg3[%dma_wait3A_85] : memref<327680xi32, #tpu.memory_space<hbm>> -> memref<4096xi32, #tpu.memory_space<hbm>>
        tpu.wait_dma2 semaphore(%arg12 : memref<!tpu.dma_semaphore, #tpu.memory_space<semaphore_mem>>) src(%dma_wait3A_86 : memref<4096xi32, #tpu.memory_space<hbm>>) dst(%arg8 : memref<4096xi32, #tpu.memory_space<vmem>>)
        %add3A_87 = arith.constant 1 : i32
        %add3A_88 = arith.addi %scan3A_46, %add3A_87 : i32
        %lt3A_89 = arith.constant 80 : i32
        %lt3A_90 = arith.cmpi slt, %add3A_88, %lt3A_89 : i32
        %convert_element_type3A_91 = arith.extui %lt3A_90 : i1 to i32
        %cond3A_92 = arith.constant 0 : i32
        %cond3A_93 = arith.cmpi ne, %convert_element_type3A_91, %cond3A_92 : i32
        scf.if %cond3A_93 {
          %add3A_100 = arith.constant 1 : i32
          %add3A_101 = arith.addi %scan3A_46, %add3A_100 : i32
          %mul3A_102 = arith.constant 4096 : i32
          %mul3A_103 = arith.muli %add3A_101, %mul3A_102 : i32
          %dma_start3A_104 = tpu.memref_slice %arg14[%mul3A_103] : memref<327680xi32, #tpu.memory_space<vmem_shared>> -> memref<4096xi32, #tpu.memory_space<vmem_shared>>
          %dma_start3A_105 = tpu.memref_slice %arg14[%mul3A_103] : memref<327680xi32, #tpu.memory_space<vmem_shared>> -> memref<4096xi32, #tpu.memory_space<vmem_shared>>
          tpu.enqueue_dma source(%dma_start3A_105 : memref<4096xi32, #tpu.memory_space<vmem_shared>>) target(%arg9 : memref<4096xi32, #tpu.memory_space<vmem>>) target_semaphore(%arg13 : memref<!tpu.dma_semaphore, #tpu.memory_space<semaphore_mem>>)
          %mul3A_106 = arith.constant 4096 : i32
          %mul3A_107 = arith.muli %add3A_101, %mul3A_106 : i32
          %dma_start3A_108 = tpu.memref_slice %arg15[%mul3A_107] : memref<327680xi32, #tpu.memory_space<vmem_shared>> -> memref<4096xi32, #tpu.memory_space<vmem_shared>>
          %dma_start3A_109 = tpu.memref_slice %arg15[%mul3A_107] : memref<327680xi32, #tpu.memory_space<vmem_shared>> -> memref<4096xi32, #tpu.memory_space<vmem_shared>>
          tpu.enqueue_dma source(%dma_start3A_109 : memref<4096xi32, #tpu.memory_space<vmem_shared>>) target(%arg11 : memref<4096xi32, #tpu.memory_space<vmem>>) target_semaphore(%arg13 : memref<!tpu.dma_semaphore, #tpu.memory_space<semaphore_mem>>)
        } else {
        }
        %scan3A_94 = arith.constant 0 : i32
        %scan3A_95 = arith.constant 0 : i32
        %scan3A_96 = arith.constant 64 : i32
        %scan3A_97 = arith.addi %scan3A_95, %scan3A_96 : i32
        %scan3A_98 = arith.constant 1 : i32
        scf.for %scan3A_100 = %scan3A_95 to %scan3A_97 step %scan3A_98  : i32 {
          %mul3A_101 = arith.constant 4 : i32
          %mul3A_102 = arith.muli %scan3A_100, %mul3A_101 : i32
          %add3A_103 = arith.constant 0 : i32
          %add3A_104 = arith.addi %mul3A_102, %add3A_103 : i32
          %mul3A_105 = arith.constant 16 : i32
          %mul3A_106 = arith.muli %add3A_104, %mul3A_105 : i32
          %get3A = arith.index_cast %mul3A_106 : i32 to index
          %get3A_107 = tpu.vector_load %arg8[%get3A] {strides = array<i32>} : memref<4096xi32, #tpu.memory_space<vmem>>, vector<16xi32>,
          %mul3A_108 = arith.constant 4 : i32
          %mul3A_109 = arith.muli %scan3A_100, %mul3A_108 : i32
          %add3A_110 = arith.constant 0 : i32
          %add3A_111 = arith.addi %mul3A_109, %add3A_110 : i32
          %mul3A_112 = arith.constant 16 : i32
          %mul3A_113 = arith.muli %add3A_111, %mul3A_112 : i32
          %get3A_114 = arith.index_cast %mul3A_113 : i32 to index
          %get3A_115 = tpu.vector_load %arg10[%get3A_114] {strides = array<i32>} : memref<4096xi32, #tpu.memory_space<vmem>>, vector<16xi32>,
          %add3A_116 = arith.addi %get3A_107, %broadcast_in_dim3A_37 : vector<16xi32>
          %gather3A = tpu.vector_load_idx %arg6[%add3A_116] : memref<20480xf32, #tpu.memory_space<vmem>>[vector<16xi32>], vector<16xf32>,
          %add3A_117 = arith.addi %get3A_107, %broadcast_in_dim3A_39 : vector<16xi32>
          %gather3A_118 = tpu.vector_load_idx %arg6[%add3A_117] : memref<20480xf32, #tpu.memory_space<vmem>>[vector<16xi32>], vector<16xf32>,
          %mul3A_119 = arith.constant 4 : i32
          %mul3A_120 = arith.muli %scan3A_100, %mul3A_119 : i32
          %add3A_121 = arith.constant 1 : i32
          %add3A_122 = arith.addi %mul3A_120, %add3A_121 : i32
          %mul3A_123 = arith.constant 16 : i32
          %mul3A_124 = arith.muli %add3A_122, %mul3A_123 : i32
          %get3A_125 = arith.index_cast %mul3A_124 : i32 to index
          %get3A_126 = tpu.vector_load %arg8[%get3A_125] {strides = array<i32>} : memref<4096xi32, #tpu.memory_space<vmem>>, vector<16xi32>,
          %mul3A_127 = arith.constant 4 : i32
          %mul3A_128 = arith.muli %scan3A_100, %mul3A_127 : i32
          %add3A_129 = arith.constant 1 : i32
          %add3A_130 = arith.addi %mul3A_128, %add3A_129 : i32
          %mul3A_131 = arith.constant 16 : i32
          %mul3A_132 = arith.muli %add3A_130, %mul3A_131 : i32
          %get3A_133 = arith.index_cast %mul3A_132 : i32 to index
          %get3A_134 = tpu.vector_load %arg10[%get3A_133] {strides = array<i32>} : memref<4096xi32, #tpu.memory_space<vmem>>, vector<16xi32>,
          %add3A_135 = arith.addi %get3A_126, %broadcast_in_dim3A_37 : vector<16xi32>
          %gather3A_136 = tpu.vector_load_idx %arg6[%add3A_135] : memref<20480xf32, #tpu.memory_space<vmem>>[vector<16xi32>], vector<16xf32>,
          %add3A_137 = arith.addi %get3A_126, %broadcast_in_dim3A_39 : vector<16xi32>
          %gather3A_138 = tpu.vector_load_idx %arg6[%add3A_137] : memref<20480xf32, #tpu.memory_space<vmem>>[vector<16xi32>], vector<16xf32>,
          %mul3A_139 = arith.constant 4 : i32
          %mul3A_140 = arith.muli %scan3A_100, %mul3A_139 : i32
          %add3A_141 = arith.constant 2 : i32
          %add3A_142 = arith.addi %mul3A_140, %add3A_141 : i32
          %mul3A_143 = arith.constant 16 : i32
          %mul3A_144 = arith.muli %add3A_142, %mul3A_143 : i32
          %get3A_145 = arith.index_cast %mul3A_144 : i32 to index
          %get3A_146 = tpu.vector_load %arg8[%get3A_145] {strides = array<i32>} : memref<4096xi32, #tpu.memory_space<vmem>>, vector<16xi32>,
          %mul3A_147 = arith.constant 4 : i32
          %mul3A_148 = arith.muli %scan3A_100, %mul3A_147 : i32
          %add3A_149 = arith.constant 2 : i32
          %add3A_150 = arith.addi %mul3A_148, %add3A_149 : i32
          %mul3A_151 = arith.constant 16 : i32
          %mul3A_152 = arith.muli %add3A_150, %mul3A_151 : i32
          %get3A_153 = arith.index_cast %mul3A_152 : i32 to index
          %get3A_154 = tpu.vector_load %arg10[%get3A_153] {strides = array<i32>} : memref<4096xi32, #tpu.memory_space<vmem>>, vector<16xi32>,
          %add3A_155 = arith.addi %get3A_146, %broadcast_in_dim3A_37 : vector<16xi32>
          %gather3A_156 = tpu.vector_load_idx %arg6[%add3A_155] : memref<20480xf32, #tpu.memory_space<vmem>>[vector<16xi32>], vector<16xf32>,
          %add3A_157 = arith.addi %get3A_146, %broadcast_in_dim3A_39 : vector<16xi32>
          %gather3A_158 = tpu.vector_load_idx %arg6[%add3A_157] : memref<20480xf32, #tpu.memory_space<vmem>>[vector<16xi32>], vector<16xf32>,
          %mul3A_159 = arith.constant 4 : i32
          %mul3A_160 = arith.muli %scan3A_100, %mul3A_159 : i32
          %add3A_161 = arith.constant 3 : i32
          %add3A_162 = arith.addi %mul3A_160, %add3A_161 : i32
          %mul3A_163 = arith.constant 16 : i32
          %mul3A_164 = arith.muli %add3A_162, %mul3A_163 : i32
          %get3A_165 = arith.index_cast %mul3A_164 : i32 to index
          %get3A_166 = tpu.vector_load %arg8[%get3A_165] {strides = array<i32>} : memref<4096xi32, #tpu.memory_space<vmem>>, vector<16xi32>,
          %mul3A_167 = arith.constant 4 : i32
          %mul3A_168 = arith.muli %scan3A_100, %mul3A_167 : i32
          %add3A_169 = arith.constant 3 : i32
          %add3A_170 = arith.addi %mul3A_168, %add3A_169 : i32
          %mul3A_171 = arith.constant 16 : i32
          %mul3A_172 = arith.muli %add3A_170, %mul3A_171 : i32
          %get3A_173 = arith.index_cast %mul3A_172 : i32 to index
          %get3A_174 = tpu.vector_load %arg10[%get3A_173] {strides = array<i32>} : memref<4096xi32, #tpu.memory_space<vmem>>, vector<16xi32>,
          %add3A_175 = arith.addi %get3A_166, %broadcast_in_dim3A_37 : vector<16xi32>
          %gather3A_176 = tpu.vector_load_idx %arg6[%add3A_175] : memref<20480xf32, #tpu.memory_space<vmem>>[vector<16xi32>], vector<16xf32>,
          %add3A_177 = arith.addi %get3A_166, %broadcast_in_dim3A_39 : vector<16xi32>
          %gather3A_178 = tpu.vector_load_idx %arg6[%add3A_177] : memref<20480xf32, #tpu.memory_space<vmem>>[vector<16xi32>], vector<16xf32>,
          %bitcast3A = vector.bitcast %gather3A : vector<16xf32> to vector<32xbf16>
          %unpack3A = tpu.unpack_subelements %bitcast3A, 0 {pack_format = #tpu.pack_format<interleaved>} : vector<32xbf16> -> vector<16xf32>
          %unpack3A_179 = tpu.unpack_subelements %bitcast3A, 1 {pack_format = #tpu.pack_format<interleaved>} : vector<32xbf16> -> vector<16xf32>
          %add3A_180 = arith.addi %get3A_115, %broadcast_in_dim3A_29 : vector<16xi32>
          tpu.vector_store_idx %arg7[%add3A_180], %unpack3A {add = true} : memref<40960xf32, #tpu.memory_space<vmem>>[vector<16xi32>], vector<16xf32>,
          %add3A_181 = arith.addi %get3A_115, %broadcast_in_dim3A_31 : vector<16xi32>
          tpu.vector_store_idx %arg7[%add3A_181], %unpack3A_179 {add = true} : memref<40960xf32, #tpu.memory_space<vmem>>[vector<16xi32>], vector<16xf32>,
          %bitcast3A_182 = vector.bitcast %gather3A_118 : vector<16xf32> to vector<32xbf16>
          %unpack3A_183 = tpu.unpack_subelements %bitcast3A_182, 0 {pack_format = #tpu.pack_format<interleaved>} : vector<32xbf16> -> vector<16xf32>
          %unpack3A_184 = tpu.unpack_subelements %bitcast3A_182, 1 {pack_format = #tpu.pack_format<interleaved>} : vector<32xbf16> -> vector<16xf32>
          %add3A_185 = arith.addi %get3A_115, %broadcast_in_dim3A_33 : vector<16xi32>
          tpu.vector_store_idx %arg7[%add3A_185], %unpack3A_183 {add = true} : memref<40960xf32, #tpu.memory_space<vmem>>[vector<16xi32>], vector<16xf32>,
          %add3A_186 = arith.addi %get3A_115, %broadcast_in_dim3A_35 : vector<16xi32>
          tpu.vector_store_idx %arg7[%add3A_186], %unpack3A_184 {add = true} : memref<40960xf32, #tpu.memory_space<vmem>>[vector<16xi32>], vector<16xf32>,
          %bitcast3A_187 = vector.bitcast %gather3A_136 : vector<16xf32> to vector<32xbf16>
          %unpack3A_188 = tpu.unpack_subelements %bitcast3A_187, 0 {pack_format = #tpu.pack_format<interleaved>} : vector<32xbf16> -> vector<16xf32>
          %unpack3A_189 = tpu.unpack_subelements %bitcast3A_187, 1 {pack_format = #tpu.pack_format<interleaved>} : vector<32xbf16> -> vector<16xf32>
          %add3A_190 = arith.addi %get3A_134, %broadcast_in_dim3A_29 : vector<16xi32>
          tpu.vector_store_idx %arg7[%add3A_190], %unpack3A_188 {add = true} : memref<40960xf32, #tpu.memory_space<vmem>>[vector<16xi32>], vector<16xf32>,
          %add3A_191 = arith.addi %get3A_134, %broadcast_in_dim3A_31 : vector<16xi32>
          tpu.vector_store_idx %arg7[%add3A_191], %unpack3A_189 {add = true} : memref<40960xf32, #tpu.memory_space<vmem>>[vector<16xi32>], vector<16xf32>,
          %bitcast3A_192 = vector.bitcast %gather3A_138 : vector<16xf32> to vector<32xbf16>
          %unpack3A_193 = tpu.unpack_subelements %bitcast3A_192, 0 {pack_format = #tpu.pack_format<interleaved>} : vector<32xbf16> -> vector<16xf32>
          %unpack3A_194 = tpu.unpack_subelements %bitcast3A_192, 1 {pack_format = #tpu.pack_format<interleaved>} : vector<32xbf16> -> vector<16xf32>
          %add3A_195 = arith.addi %get3A_134, %broadcast_in_dim3A_33 : vector<16xi32>
          tpu.vector_store_idx %arg7[%add3A_195], %unpack3A_193 {add = true} : memref<40960xf32, #tpu.memory_space<vmem>>[vector<16xi32>], vector<16xf32>,
          %add3A_196 = arith.addi %get3A_134, %broadcast_in_dim3A_35 : vector<16xi32>
          tpu.vector_store_idx %arg7[%add3A_196], %unpack3A_194 {add = true} : memref<40960xf32, #tpu.memory_space<vmem>>[vector<16xi32>], vector<16xf32>,
          %bitcast3A_197 = vector.bitcast %gather3A_156 : vector<16xf32> to vector<32xbf16>
          %unpack3A_198 = tpu.unpack_subelements %bitcast3A_197, 0 {pack_format = #tpu.pack_format<interleaved>} : vector<32xbf16> -> vector<16xf32>
          %unpack3A_199 = tpu.unpack_subelements %bitcast3A_197, 1 {pack_format = #tpu.pack_format<interleaved>} : vector<32xbf16> -> vector<16xf32>
          %add3A_200 = arith.addi %get3A_154, %broadcast_in_dim3A_29 : vector<16xi32>
          tpu.vector_store_idx %arg7[%add3A_200], %unpack3A_198 {add = true} : memref<40960xf32, #tpu.memory_space<vmem>>[vector<16xi32>], vector<16xf32>,
          %add3A_201 = arith.addi %get3A_154, %broadcast_in_dim3A_31 : vector<16xi32>
          tpu.vector_store_idx %arg7[%add3A_201], %unpack3A_199 {add = true} : memref<40960xf32, #tpu.memory_space<vmem>>[vector<16xi32>], vector<16xf32>,
          %bitcast3A_202 = vector.bitcast %gather3A_158 : vector<16xf32> to vector<32xbf16>
          %unpack3A_203 = tpu.unpack_subelements %bitcast3A_202, 0 {pack_format = #tpu.pack_format<interleaved>} : vector<32xbf16> -> vector<16xf32>
          %unpack3A_204 = tpu.unpack_subelements %bitcast3A_202, 1 {pack_format = #tpu.pack_format<interleaved>} : vector<32xbf16> -> vector<16xf32>
          %add3A_205 = arith.addi %get3A_154, %broadcast_in_dim3A_33 : vector<16xi32>
          tpu.vector_store_idx %arg7[%add3A_205], %unpack3A_203 {add = true} : memref<40960xf32, #tpu.memory_space<vmem>>[vector<16xi32>], vector<16xf32>,
          %add3A_206 = arith.addi %get3A_154, %broadcast_in_dim3A_35 : vector<16xi32>
          tpu.vector_store_idx %arg7[%add3A_206], %unpack3A_204 {add = true} : memref<40960xf32, #tpu.memory_space<vmem>>[vector<16xi32>], vector<16xf32>,
          %bitcast3A_207 = vector.bitcast %gather3A_176 : vector<16xf32> to vector<32xbf16>
          %unpack3A_208 = tpu.unpack_subelements %bitcast3A_207, 0 {pack_format = #tpu.pack_format<interleaved>} : vector<32xbf16> -> vector<16xf32>
          %unpack3A_209 = tpu.unpack_subelements %bitcast3A_207, 1 {pack_format = #tpu.pack_format<interleaved>} : vector<32xbf16> -> vector<16xf32>
          %add3A_210 = arith.addi %get3A_174, %broadcast_in_dim3A_29 : vector<16xi32>
          tpu.vector_store_idx %arg7[%add3A_210], %unpack3A_208 {add = true} : memref<40960xf32, #tpu.memory_space<vmem>>[vector<16xi32>], vector<16xf32>,
          %add3A_211 = arith.addi %get3A_174, %broadcast_in_dim3A_31 : vector<16xi32>
          tpu.vector_store_idx %arg7[%add3A_211], %unpack3A_209 {add = true} : memref<40960xf32, #tpu.memory_space<vmem>>[vector<16xi32>], vector<16xf32>,
          %bitcast3A_212 = vector.bitcast %gather3A_178 : vector<16xf32> to vector<32xbf16>
          %unpack3A_213 = tpu.unpack_subelements %bitcast3A_212, 0 {pack_format = #tpu.pack_format<interleaved>} : vector<32xbf16> -> vector<16xf32>
          %unpack3A_214 = tpu.unpack_subelements %bitcast3A_212, 1 {pack_format = #tpu.pack_format<interleaved>} : vector<32xbf16> -> vector<16xf32>
          %add3A_215 = arith.addi %get3A_174, %broadcast_in_dim3A_33 : vector<16xi32>
          tpu.vector_store_idx %arg7[%add3A_215], %unpack3A_213 {add = true} : memref<40960xf32, #tpu.memory_space<vmem>>[vector<16xi32>], vector<16xf32>,
          %add3A_216 = arith.addi %get3A_174, %broadcast_in_dim3A_35 : vector<16xi32>
          tpu.vector_store_idx %arg7[%add3A_216], %unpack3A_214 {add = true} : memref<40960xf32, #tpu.memory_space<vmem>>[vector<16xi32>], vector<16xf32>,
        }
        %scan3A_99 = arith.constant 64 : i32
      } else {
      }
      %jit3A_59 = arith.constant 2 : i32
      %eq3A_60 = arith.constant 0 : i32
      %eq3A_61 = arith.cmpi eq, %jit3A_59, %eq3A_60 : i32
      %jit3A_62 = arith.constant 1 : i32
      %select_n3A_63 = arith.select %eq3A_61, %jit3A_62, %jit3A_59 : i32
      %rem3A_64 = arith.remsi %scan3A_46, %select_n3A_63 : i32
      %ne3A_65 = arith.constant 0 : i32
      %ne3A_66 = arith.cmpi ne, %rem3A_64, %ne3A_65 : i32
      %lt3A_67 = arith.constant 0 : i32
      %lt3A_68 = arith.cmpi slt, %rem3A_64, %lt3A_67 : i32
      %lt3A_69 = arith.constant 0 : i32
      %lt3A_70 = arith.cmpi slt, %select_n3A_63, %lt3A_69 : i32
      %ne3A_71 = arith.xori %lt3A_68, %lt3A_70 : i1
      %and3A_72 = arith.andi %ne3A_71, %ne3A_66 : i1
      %add3A_73 = arith.addi %rem3A_64, %select_n3A_63 : i32
      %select_n3A_74 = arith.select %and3A_72, %add3A_73, %rem3A_64 : i32
      %eq3A_75 = arith.constant 1 : i32
      %eq3A_76 = arith.cmpi eq, %select_n3A_74, %eq3A_75 : i32
      %convert_element_type3A_77 = arith.extui %eq3A_76 : i1 to i32
      %cond3A_78 = arith.constant 0 : i32
      %cond3A_79 = arith.cmpi ne, %convert_element_type3A_77, %cond3A_78 : i32
      scf.if %cond3A_79 {
        %dma_wait3A = arith.constant 0 : i32
        %dma_wait3A_80 = tpu.memref_slice %arg3[%dma_wait3A] : memref<327680xi32, #tpu.memory_space<hbm>> -> memref<4096xi32, #tpu.memory_space<hbm>>
        %dma_wait3A_81 = arith.constant 0 : i32
        %dma_wait3A_82 = tpu.memref_slice %arg3[%dma_wait3A_81] : memref<327680xi32, #tpu.memory_space<hbm>> -> memref<4096xi32, #tpu.memory_space<hbm>>
        tpu.wait_dma2 semaphore(%arg13 : memref<!tpu.dma_semaphore, #tpu.memory_space<semaphore_mem>>) src(%dma_wait3A_82 : memref<4096xi32, #tpu.memory_space<hbm>>) dst(%arg9 : memref<4096xi32, #tpu.memory_space<vmem>>)
        %dma_wait3A_83 = arith.constant 0 : i32
        %dma_wait3A_84 = tpu.memref_slice %arg3[%dma_wait3A_83] : memref<327680xi32, #tpu.memory_space<hbm>> -> memref<4096xi32, #tpu.memory_space<hbm>>
        %dma_wait3A_85 = arith.constant 0 : i32
        %dma_wait3A_86 = tpu.memref_slice %arg3[%dma_wait3A_85] : memref<327680xi32, #tpu.memory_space<hbm>> -> memref<4096xi32, #tpu.memory_space<hbm>>
        tpu.wait_dma2 semaphore(%arg13 : memref<!tpu.dma_semaphore, #tpu.memory_space<semaphore_mem>>) src(%dma_wait3A_86 : memref<4096xi32, #tpu.memory_space<hbm>>) dst(%arg9 : memref<4096xi32, #tpu.memory_space<vmem>>)
        %add3A_87 = arith.constant 1 : i32
        %add3A_88 = arith.addi %scan3A_46, %add3A_87 : i32
        %lt3A_89 = arith.constant 80 : i32
        %lt3A_90 = arith.cmpi slt, %add3A_88, %lt3A_89 : i32
        %convert_element_type3A_91 = arith.extui %lt3A_90 : i1 to i32
        %cond3A_92 = arith.constant 0 : i32
        %cond3A_93 = arith.cmpi ne, %convert_element_type3A_91, %cond3A_92 : i32
        scf.if %cond3A_93 {
          %add3A_100 = arith.constant 1 : i32
          %add3A_101 = arith.addi %scan3A_46, %add3A_100 : i32
          %mul3A_102 = arith.constant 4096 : i32
          %mul3A_103 = arith.muli %add3A_101, %mul3A_102 : i32
          %dma_start3A_104 = tpu.memref_slice %arg14[%mul3A_103] : memref<327680xi32, #tpu.memory_space<vmem_shared>> -> memref<4096xi32, #tpu.memory_space<vmem_shared>>
          %dma_start3A_105 = tpu.memref_slice %arg14[%mul3A_103] : memref<327680xi32, #tpu.memory_space<vmem_shared>> -> memref<4096xi32, #tpu.memory_space<vmem_shared>>
          tpu.enqueue_dma source(%dma_start3A_105 : memref<4096xi32, #tpu.memory_space<vmem_shared>>) target(%arg8 : memref<4096xi32, #tpu.memory_space<vmem>>) target_semaphore(%arg12 : memref<!tpu.dma_semaphore, #tpu.memory_space<semaphore_mem>>)
          %mul3A_106 = arith.constant 4096 : i32
          %mul3A_107 = arith.muli %add3A_101, %mul3A_106 : i32
          %dma_start3A_108 = tpu.memref_slice %arg15[%mul3A_107] : memref<327680xi32, #tpu.memory_space<vmem_shared>> -> memref<4096xi32, #tpu.memory_space<vmem_shared>>
          %dma_start3A_109 = tpu.memref_slice %arg15[%mul3A_107] : memref<327680xi32, #tpu.memory_space<vmem_shared>> -> memref<4096xi32, #tpu.memory_space<vmem_shared>>
          tpu.enqueue_dma source(%dma_start3A_109 : memref<4096xi32, #tpu.memory_space<vmem_shared>>) target(%arg10 : memref<4096xi32, #tpu.memory_space<vmem>>) target_semaphore(%arg12 : memref<!tpu.dma_semaphore, #tpu.memory_space<semaphore_mem>>)
        } else {
        }
        %scan3A_94 = arith.constant 0 : i32
        %scan3A_95 = arith.constant 0 : i32
        %scan3A_96 = arith.constant 64 : i32
        %scan3A_97 = arith.addi %scan3A_95, %scan3A_96 : i32
        %scan3A_98 = arith.constant 1 : i32
        scf.for %scan3A_100 = %scan3A_95 to %scan3A_97 step %scan3A_98  : i32 {
          %mul3A_101 = arith.constant 4 : i32
          %mul3A_102 = arith.muli %scan3A_100, %mul3A_101 : i32
          %add3A_103 = arith.constant 0 : i32
          %add3A_104 = arith.addi %mul3A_102, %add3A_103 : i32
          %mul3A_105 = arith.constant 16 : i32
          %mul3A_106 = arith.muli %add3A_104, %mul3A_105 : i32
          %get3A = arith.index_cast %mul3A_106 : i32 to index
          %get3A_107 = tpu.vector_load %arg9[%get3A] {strides = array<i32>} : memref<4096xi32, #tpu.memory_space<vmem>>, vector<16xi32>,
          %mul3A_108 = arith.constant 4 : i32
          %mul3A_109 = arith.muli %scan3A_100, %mul3A_108 : i32
          %add3A_110 = arith.constant 0 : i32
          %add3A_111 = arith.addi %mul3A_109, %add3A_110 : i32
          %mul3A_112 = arith.constant 16 : i32
          %mul3A_113 = arith.muli %add3A_111, %mul3A_112 : i32
          %get3A_114 = arith.index_cast %mul3A_113 : i32 to index
          %get3A_115 = tpu.vector_load %arg11[%get3A_114] {strides = array<i32>} : memref<4096xi32, #tpu.memory_space<vmem>>, vector<16xi32>,
          %add3A_116 = arith.addi %get3A_107, %broadcast_in_dim3A_37 : vector<16xi32>
          %gather3A = tpu.vector_load_idx %arg6[%add3A_116] : memref<20480xf32, #tpu.memory_space<vmem>>[vector<16xi32>], vector<16xf32>,
          %add3A_117 = arith.addi %get3A_107, %broadcast_in_dim3A_39 : vector<16xi32>
          %gather3A_118 = tpu.vector_load_idx %arg6[%add3A_117] : memref<20480xf32, #tpu.memory_space<vmem>>[vector<16xi32>], vector<16xf32>,
          %mul3A_119 = arith.constant 4 : i32
          %mul3A_120 = arith.muli %scan3A_100, %mul3A_119 : i32
          %add3A_121 = arith.constant 1 : i32
          %add3A_122 = arith.addi %mul3A_120, %add3A_121 : i32
          %mul3A_123 = arith.constant 16 : i32
          %mul3A_124 = arith.muli %add3A_122, %mul3A_123 : i32
          %get3A_125 = arith.index_cast %mul3A_124 : i32 to index
          %get3A_126 = tpu.vector_load %arg9[%get3A_125] {strides = array<i32>} : memref<4096xi32, #tpu.memory_space<vmem>>, vector<16xi32>,
          %mul3A_127 = arith.constant 4 : i32
          %mul3A_128 = arith.muli %scan3A_100, %mul3A_127 : i32
          %add3A_129 = arith.constant 1 : i32
          %add3A_130 = arith.addi %mul3A_128, %add3A_129 : i32
          %mul3A_131 = arith.constant 16 : i32
          %mul3A_132 = arith.muli %add3A_130, %mul3A_131 : i32
          %get3A_133 = arith.index_cast %mul3A_132 : i32 to index
          %get3A_134 = tpu.vector_load %arg11[%get3A_133] {strides = array<i32>} : memref<4096xi32, #tpu.memory_space<vmem>>, vector<16xi32>,
          %add3A_135 = arith.addi %get3A_126, %broadcast_in_dim3A_37 : vector<16xi32>
          %gather3A_136 = tpu.vector_load_idx %arg6[%add3A_135] : memref<20480xf32, #tpu.memory_space<vmem>>[vector<16xi32>], vector<16xf32>,
          %add3A_137 = arith.addi %get3A_126, %broadcast_in_dim3A_39 : vector<16xi32>
          %gather3A_138 = tpu.vector_load_idx %arg6[%add3A_137] : memref<20480xf32, #tpu.memory_space<vmem>>[vector<16xi32>], vector<16xf32>,
          %mul3A_139 = arith.constant 4 : i32
          %mul3A_140 = arith.muli %scan3A_100, %mul3A_139 : i32
          %add3A_141 = arith.constant 2 : i32
          %add3A_142 = arith.addi %mul3A_140, %add3A_141 : i32
          %mul3A_143 = arith.constant 16 : i32
          %mul3A_144 = arith.muli %add3A_142, %mul3A_143 : i32
          %get3A_145 = arith.index_cast %mul3A_144 : i32 to index
          %get3A_146 = tpu.vector_load %arg9[%get3A_145] {strides = array<i32>} : memref<4096xi32, #tpu.memory_space<vmem>>, vector<16xi32>,
          %mul3A_147 = arith.constant 4 : i32
          %mul3A_148 = arith.muli %scan3A_100, %mul3A_147 : i32
          %add3A_149 = arith.constant 2 : i32
          %add3A_150 = arith.addi %mul3A_148, %add3A_149 : i32
          %mul3A_151 = arith.constant 16 : i32
          %mul3A_152 = arith.muli %add3A_150, %mul3A_151 : i32
          %get3A_153 = arith.index_cast %mul3A_152 : i32 to index
          %get3A_154 = tpu.vector_load %arg11[%get3A_153] {strides = array<i32>} : memref<4096xi32, #tpu.memory_space<vmem>>, vector<16xi32>,
          %add3A_155 = arith.addi %get3A_146, %broadcast_in_dim3A_37 : vector<16xi32>
          %gather3A_156 = tpu.vector_load_idx %arg6[%add3A_155] : memref<20480xf32, #tpu.memory_space<vmem>>[vector<16xi32>], vector<16xf32>,
          %add3A_157 = arith.addi %get3A_146, %broadcast_in_dim3A_39 : vector<16xi32>
          %gather3A_158 = tpu.vector_load_idx %arg6[%add3A_157] : memref<20480xf32, #tpu.memory_space<vmem>>[vector<16xi32>], vector<16xf32>,
          %mul3A_159 = arith.constant 4 : i32
          %mul3A_160 = arith.muli %scan3A_100, %mul3A_159 : i32
          %add3A_161 = arith.constant 3 : i32
          %add3A_162 = arith.addi %mul3A_160, %add3A_161 : i32
          %mul3A_163 = arith.constant 16 : i32
          %mul3A_164 = arith.muli %add3A_162, %mul3A_163 : i32
          %get3A_165 = arith.index_cast %mul3A_164 : i32 to index
          %get3A_166 = tpu.vector_load %arg9[%get3A_165] {strides = array<i32>} : memref<4096xi32, #tpu.memory_space<vmem>>, vector<16xi32>,
          %mul3A_167 = arith.constant 4 : i32
          %mul3A_168 = arith.muli %scan3A_100, %mul3A_167 : i32
          %add3A_169 = arith.constant 3 : i32
          %add3A_170 = arith.addi %mul3A_168, %add3A_169 : i32
          %mul3A_171 = arith.constant 16 : i32
          %mul3A_172 = arith.muli %add3A_170, %mul3A_171 : i32
          %get3A_173 = arith.index_cast %mul3A_172 : i32 to index
          %get3A_174 = tpu.vector_load %arg11[%get3A_173] {strides = array<i32>} : memref<4096xi32, #tpu.memory_space<vmem>>, vector<16xi32>,
          %add3A_175 = arith.addi %get3A_166, %broadcast_in_dim3A_37 : vector<16xi32>
          %gather3A_176 = tpu.vector_load_idx %arg6[%add3A_175] : memref<20480xf32, #tpu.memory_space<vmem>>[vector<16xi32>], vector<16xf32>,
          %add3A_177 = arith.addi %get3A_166, %broadcast_in_dim3A_39 : vector<16xi32>
          %gather3A_178 = tpu.vector_load_idx %arg6[%add3A_177] : memref<20480xf32, #tpu.memory_space<vmem>>[vector<16xi32>], vector<16xf32>,
          %bitcast3A = vector.bitcast %gather3A : vector<16xf32> to vector<32xbf16>
          %unpack3A = tpu.unpack_subelements %bitcast3A, 0 {pack_format = #tpu.pack_format<interleaved>} : vector<32xbf16> -> vector<16xf32>
          %unpack3A_179 = tpu.unpack_subelements %bitcast3A, 1 {pack_format = #tpu.pack_format<interleaved>} : vector<32xbf16> -> vector<16xf32>
          %add3A_180 = arith.addi %get3A_115, %broadcast_in_dim3A_29 : vector<16xi32>
          tpu.vector_store_idx %arg7[%add3A_180], %unpack3A {add = true} : memref<40960xf32, #tpu.memory_space<vmem>>[vector<16xi32>], vector<16xf32>,
          %add3A_181 = arith.addi %get3A_115, %broadcast_in_dim3A_31 : vector<16xi32>
          tpu.vector_store_idx %arg7[%add3A_181], %unpack3A_179 {add = true} : memref<40960xf32, #tpu.memory_space<vmem>>[vector<16xi32>], vector<16xf32>,
          %bitcast3A_182 = vector.bitcast %gather3A_118 : vector<16xf32> to vector<32xbf16>
          %unpack3A_183 = tpu.unpack_subelements %bitcast3A_182, 0 {pack_format = #tpu.pack_format<interleaved>} : vector<32xbf16> -> vector<16xf32>
          %unpack3A_184 = tpu.unpack_subelements %bitcast3A_182, 1 {pack_format = #tpu.pack_format<interleaved>} : vector<32xbf16> -> vector<16xf32>
          %add3A_185 = arith.addi %get3A_115, %broadcast_in_dim3A_33 : vector<16xi32>
          tpu.vector_store_idx %arg7[%add3A_185], %unpack3A_183 {add = true} : memref<40960xf32, #tpu.memory_space<vmem>>[vector<16xi32>], vector<16xf32>,
          %add3A_186 = arith.addi %get3A_115, %broadcast_in_dim3A_35 : vector<16xi32>
          tpu.vector_store_idx %arg7[%add3A_186], %unpack3A_184 {add = true} : memref<40960xf32, #tpu.memory_space<vmem>>[vector<16xi32>], vector<16xf32>,
          %bitcast3A_187 = vector.bitcast %gather3A_136 : vector<16xf32> to vector<32xbf16>
          %unpack3A_188 = tpu.unpack_subelements %bitcast3A_187, 0 {pack_format = #tpu.pack_format<interleaved>} : vector<32xbf16> -> vector<16xf32>
          %unpack3A_189 = tpu.unpack_subelements %bitcast3A_187, 1 {pack_format = #tpu.pack_format<interleaved>} : vector<32xbf16> -> vector<16xf32>
          %add3A_190 = arith.addi %get3A_134, %broadcast_in_dim3A_29 : vector<16xi32>
          tpu.vector_store_idx %arg7[%add3A_190], %unpack3A_188 {add = true} : memref<40960xf32, #tpu.memory_space<vmem>>[vector<16xi32>], vector<16xf32>,
          %add3A_191 = arith.addi %get3A_134, %broadcast_in_dim3A_31 : vector<16xi32>
          tpu.vector_store_idx %arg7[%add3A_191], %unpack3A_189 {add = true} : memref<40960xf32, #tpu.memory_space<vmem>>[vector<16xi32>], vector<16xf32>,
          %bitcast3A_192 = vector.bitcast %gather3A_138 : vector<16xf32> to vector<32xbf16>
          %unpack3A_193 = tpu.unpack_subelements %bitcast3A_192, 0 {pack_format = #tpu.pack_format<interleaved>} : vector<32xbf16> -> vector<16xf32>
          %unpack3A_194 = tpu.unpack_subelements %bitcast3A_192, 1 {pack_format = #tpu.pack_format<interleaved>} : vector<32xbf16> -> vector<16xf32>
          %add3A_195 = arith.addi %get3A_134, %broadcast_in_dim3A_33 : vector<16xi32>
          tpu.vector_store_idx %arg7[%add3A_195], %unpack3A_193 {add = true} : memref<40960xf32, #tpu.memory_space<vmem>>[vector<16xi32>], vector<16xf32>,
          %add3A_196 = arith.addi %get3A_134, %broadcast_in_dim3A_35 : vector<16xi32>
          tpu.vector_store_idx %arg7[%add3A_196], %unpack3A_194 {add = true} : memref<40960xf32, #tpu.memory_space<vmem>>[vector<16xi32>], vector<16xf32>,
          %bitcast3A_197 = vector.bitcast %gather3A_156 : vector<16xf32> to vector<32xbf16>
          %unpack3A_198 = tpu.unpack_subelements %bitcast3A_197, 0 {pack_format = #tpu.pack_format<interleaved>} : vector<32xbf16> -> vector<16xf32>
          %unpack3A_199 = tpu.unpack_subelements %bitcast3A_197, 1 {pack_format = #tpu.pack_format<interleaved>} : vector<32xbf16> -> vector<16xf32>
          %add3A_200 = arith.addi %get3A_154, %broadcast_in_dim3A_29 : vector<16xi32>
          tpu.vector_store_idx %arg7[%add3A_200], %unpack3A_198 {add = true} : memref<40960xf32, #tpu.memory_space<vmem>>[vector<16xi32>], vector<16xf32>,
          %add3A_201 = arith.addi %get3A_154, %broadcast_in_dim3A_31 : vector<16xi32>
          tpu.vector_store_idx %arg7[%add3A_201], %unpack3A_199 {add = true} : memref<40960xf32, #tpu.memory_space<vmem>>[vector<16xi32>], vector<16xf32>,
          %bitcast3A_202 = vector.bitcast %gather3A_158 : vector<16xf32> to vector<32xbf16>
          %unpack3A_203 = tpu.unpack_subelements %bitcast3A_202, 0 {pack_format = #tpu.pack_format<interleaved>} : vector<32xbf16> -> vector<16xf32>
          %unpack3A_204 = tpu.unpack_subelements %bitcast3A_202, 1 {pack_format = #tpu.pack_format<interleaved>} : vector<32xbf16> -> vector<16xf32>
          %add3A_205 = arith.addi %get3A_154, %broadcast_in_dim3A_33 : vector<16xi32>
          tpu.vector_store_idx %arg7[%add3A_205], %unpack3A_203 {add = true} : memref<40960xf32, #tpu.memory_space<vmem>>[vector<16xi32>], vector<16xf32>,
          %add3A_206 = arith.addi %get3A_154, %broadcast_in_dim3A_35 : vector<16xi32>
          tpu.vector_store_idx %arg7[%add3A_206], %unpack3A_204 {add = true} : memref<40960xf32, #tpu.memory_space<vmem>>[vector<16xi32>], vector<16xf32>,
          %bitcast3A_207 = vector.bitcast %gather3A_176 : vector<16xf32> to vector<32xbf16>
          %unpack3A_208 = tpu.unpack_subelements %bitcast3A_207, 0 {pack_format = #tpu.pack_format<interleaved>} : vector<32xbf16> -> vector<16xf32>
          %unpack3A_209 = tpu.unpack_subelements %bitcast3A_207, 1 {pack_format = #tpu.pack_format<interleaved>} : vector<32xbf16> -> vector<16xf32>
          %add3A_210 = arith.addi %get3A_174, %broadcast_in_dim3A_29 : vector<16xi32>
          tpu.vector_store_idx %arg7[%add3A_210], %unpack3A_208 {add = true} : memref<40960xf32, #tpu.memory_space<vmem>>[vector<16xi32>], vector<16xf32>,
          %add3A_211 = arith.addi %get3A_174, %broadcast_in_dim3A_31 : vector<16xi32>
          tpu.vector_store_idx %arg7[%add3A_211], %unpack3A_209 {add = true} : memref<40960xf32, #tpu.memory_space<vmem>>[vector<16xi32>], vector<16xf32>,
          %bitcast3A_212 = vector.bitcast %gather3A_178 : vector<16xf32> to vector<32xbf16>
          %unpack3A_213 = tpu.unpack_subelements %bitcast3A_212, 0 {pack_format = #tpu.pack_format<interleaved>} : vector<32xbf16> -> vector<16xf32>
          %unpack3A_214 = tpu.unpack_subelements %bitcast3A_212, 1 {pack_format = #tpu.pack_format<interleaved>} : vector<32xbf16> -> vector<16xf32>
          %add3A_215 = arith.addi %get3A_174, %broadcast_in_dim3A_33 : vector<16xi32>
          tpu.vector_store_idx %arg7[%add3A_215], %unpack3A_213 {add = true} : memref<40960xf32, #tpu.memory_space<vmem>>[vector<16xi32>], vector<16xf32>,
          %add3A_216 = arith.addi %get3A_174, %broadcast_in_dim3A_35 : vector<16xi32>
          tpu.vector_store_idx %arg7[%add3A_216], %unpack3A_214 {add = true} : memref<40960xf32, #tpu.memory_space<vmem>>[vector<16xi32>], vector<16xf32>,
        }
        %scan3A_99 = arith.constant 64 : i32
      } else {
      }
    }
    %scan3A_45 = arith.constant 80 : i32
    "tpu.region"() ({
      %run_scoped3A = tpu.sem_alloc : memref<!tpu.dma_semaphore, #tpu.memory_space<semaphore_mem>>
      %dma_start3A_46 = tpu.memref_slice %arg5[%mul3A_4] : memref<1310720xf32, #tpu.memory_space<hbm>> -> memref<40960xf32, #tpu.memory_space<hbm>>
      %dma_start3A_47 = tpu.memref_slice %arg5[%mul3A_4] : memref<1310720xf32, #tpu.memory_space<hbm>> -> memref<40960xf32, #tpu.memory_space<hbm>>
      tpu.enqueue_dma source(%arg7 : memref<40960xf32, #tpu.memory_space<vmem>>) target(%dma_start3A_47 : memref<40960xf32, #tpu.memory_space<hbm>>) target_semaphore(%run_scoped3A : memref<!tpu.dma_semaphore, #tpu.memory_space<semaphore_mem>>)
      %dma_wait3A = tpu.memref_slice %arg5[%mul3A_4] : memref<1310720xf32, #tpu.memory_space<hbm>> -> memref<40960xf32, #tpu.memory_space<hbm>>
      %dma_wait3A_48 = tpu.memref_slice %arg5[%mul3A_4] : memref<1310720xf32, #tpu.memory_space<hbm>> -> memref<40960xf32, #tpu.memory_space<hbm>>
      tpu.wait_dma2 semaphore(%run_scoped3A : memref<!tpu.dma_semaphore, #tpu.memory_space<semaphore_mem>>) src(%arg7 : memref<40960xf32, #tpu.memory_space<vmem>>) dst(%dma_wait3A_48 : memref<40960xf32, #tpu.memory_space<hbm>>)
      tpu.yield
    }) : () -> ()
    return
  }
}

#map = affine_map<(d0, d1) -> (0, 0, 0)>
#map1 = affine_map<(d0, d1) -> (0)>
module attributes {stable_mosaic.version = 14 : i64} {
  func.func @_deg_kernel(%arg0: i32, %arg1: i32, %arg2: memref<32x80x128xi32, #tpu.memory_space<hbm>>, %arg3: memref<20480xf32, #tpu.memory_space<hbm>>, %arg4: memref<80x128xi32, #tpu.memory_space<vmem>>, %arg5: memref<128xf32, #tpu.memory_space<vmem>>, %arg6: memref<640xf32, #tpu.memory_space<vmem>>, %arg7: memref<!tpu.dma_semaphore, #tpu.memory_space<semaphore_mem>>, %arg8: memref<10240xf32, #tpu.memory_space<vmem_shared>>) attributes {dimension_semantics = [#tpu.dimension_semantics<core_parallel>, #tpu.dimension_semantics<subcore_parallel>], iteration_bounds = array<i64: 2, 16>, scalar_prefetch = 0 : i64, scratch_operands = 5 : i64, tpu.core_type = #tpu.core_type<sc_vector_subcore>, window_params = [{transform_indices = #map}, {transform_indices = #map1}]} {
    %mul3A = arith.constant 16 : i32
    %mul3A_0 = arith.muli %arg0, %mul3A : i32
    %add3A = arith.addi %mul3A_0, %arg1 : i32
    %broadcast_in_dim3A = arith.constant 1.000000e+00 : f32
    %broadcast_in_dim3A_1 = vector.broadcast %broadcast_in_dim3A : f32 to vector<16xf32>
    %swap3A = arith.constant 0 : index
    %swap3A_2 = tpu.vector_load %arg5[%swap3A] {strides = array<i32>} : memref<128xf32, #tpu.memory_space<vmem>>, vector<16xf32>,
    %swap3A_3 = vector.shape_cast %swap3A_2 : vector<16xf32> to vector<16xf32>
    %swap3A_4 = vector.shape_cast %broadcast_in_dim3A_1 : vector<16xf32> to vector<16xf32>
    tpu.vector_store %arg5[%swap3A], %swap3A_4 {strides = array<i32>} : memref<128xf32, #tpu.memory_space<vmem>>, vector<16xf32>,
    %broadcast_in_dim3A_5 = arith.constant 1.000000e+00 : f32
    %broadcast_in_dim3A_6 = vector.broadcast %broadcast_in_dim3A_5 : f32 to vector<16xf32>
    %swap3A_7 = arith.constant 16 : index
    %swap3A_8 = tpu.vector_load %arg5[%swap3A_7] {strides = array<i32>} : memref<128xf32, #tpu.memory_space<vmem>>, vector<16xf32>,
    %swap3A_9 = vector.shape_cast %swap3A_8 : vector<16xf32> to vector<16xf32>
    %swap3A_10 = vector.shape_cast %broadcast_in_dim3A_6 : vector<16xf32> to vector<16xf32>
    tpu.vector_store %arg5[%swap3A_7], %swap3A_10 {strides = array<i32>} : memref<128xf32, #tpu.memory_space<vmem>>, vector<16xf32>,
    %broadcast_in_dim3A_11 = arith.constant 1.000000e+00 : f32
    %broadcast_in_dim3A_12 = vector.broadcast %broadcast_in_dim3A_11 : f32 to vector<16xf32>
    %swap3A_13 = arith.constant 32 : index
    %swap3A_14 = tpu.vector_load %arg5[%swap3A_13] {strides = array<i32>} : memref<128xf32, #tpu.memory_space<vmem>>, vector<16xf32>,
    %swap3A_15 = vector.shape_cast %swap3A_14 : vector<16xf32> to vector<16xf32>
    %swap3A_16 = vector.shape_cast %broadcast_in_dim3A_12 : vector<16xf32> to vector<16xf32>
    tpu.vector_store %arg5[%swap3A_13], %swap3A_16 {strides = array<i32>} : memref<128xf32, #tpu.memory_space<vmem>>, vector<16xf32>,
    %broadcast_in_dim3A_17 = arith.constant 1.000000e+00 : f32
    %broadcast_in_dim3A_18 = vector.broadcast %broadcast_in_dim3A_17 : f32 to vector<16xf32>
    %swap3A_19 = arith.constant 48 : index
    %swap3A_20 = tpu.vector_load %arg5[%swap3A_19] {strides = array<i32>} : memref<128xf32, #tpu.memory_space<vmem>>, vector<16xf32>,
    %swap3A_21 = vector.shape_cast %swap3A_20 : vector<16xf32> to vector<16xf32>
    %swap3A_22 = vector.shape_cast %broadcast_in_dim3A_18 : vector<16xf32> to vector<16xf32>
    tpu.vector_store %arg5[%swap3A_19], %swap3A_22 {strides = array<i32>} : memref<128xf32, #tpu.memory_space<vmem>>, vector<16xf32>,
    %broadcast_in_dim3A_23 = arith.constant 1.000000e+00 : f32
    %broadcast_in_dim3A_24 = vector.broadcast %broadcast_in_dim3A_23 : f32 to vector<16xf32>
    %swap3A_25 = arith.constant 64 : index
    %swap3A_26 = tpu.vector_load %arg5[%swap3A_25] {strides = array<i32>} : memref<128xf32, #tpu.memory_space<vmem>>, vector<16xf32>,
    %swap3A_27 = vector.shape_cast %swap3A_26 : vector<16xf32> to vector<16xf32>
    %swap3A_28 = vector.shape_cast %broadcast_in_dim3A_24 : vector<16xf32> to vector<16xf32>
    tpu.vector_store %arg5[%swap3A_25], %swap3A_28 {strides = array<i32>} : memref<128xf32, #tpu.memory_space<vmem>>, vector<16xf32>,
    %broadcast_in_dim3A_29 = arith.constant 1.000000e+00 : f32
    %broadcast_in_dim3A_30 = vector.broadcast %broadcast_in_dim3A_29 : f32 to vector<16xf32>
    %swap3A_31 = arith.constant 80 : index
    %swap3A_32 = tpu.vector_load %arg5[%swap3A_31] {strides = array<i32>} : memref<128xf32, #tpu.memory_space<vmem>>, vector<16xf32>,
    %swap3A_33 = vector.shape_cast %swap3A_32 : vector<16xf32> to vector<16xf32>
    %swap3A_34 = vector.shape_cast %broadcast_in_dim3A_30 : vector<16xf32> to vector<16xf32>
    tpu.vector_store %arg5[%swap3A_31], %swap3A_34 {strides = array<i32>} : memref<128xf32, #tpu.memory_space<vmem>>, vector<16xf32>,
    %broadcast_in_dim3A_35 = arith.constant 1.000000e+00 : f32
    %broadcast_in_dim3A_36 = vector.broadcast %broadcast_in_dim3A_35 : f32 to vector<16xf32>
    %swap3A_37 = arith.constant 96 : index
    %swap3A_38 = tpu.vector_load %arg5[%swap3A_37] {strides = array<i32>} : memref<128xf32, #tpu.memory_space<vmem>>, vector<16xf32>,
    %swap3A_39 = vector.shape_cast %swap3A_38 : vector<16xf32> to vector<16xf32>
    %swap3A_40 = vector.shape_cast %broadcast_in_dim3A_36 : vector<16xf32> to vector<16xf32>
    tpu.vector_store %arg5[%swap3A_37], %swap3A_40 {strides = array<i32>} : memref<128xf32, #tpu.memory_space<vmem>>, vector<16xf32>,
    %broadcast_in_dim3A_41 = arith.constant 1.000000e+00 : f32
    %broadcast_in_dim3A_42 = vector.broadcast %broadcast_in_dim3A_41 : f32 to vector<16xf32>
    %swap3A_43 = arith.constant 112 : index
    %swap3A_44 = tpu.vector_load %arg5[%swap3A_43] {strides = array<i32>} : memref<128xf32, #tpu.memory_space<vmem>>, vector<16xf32>,
    %swap3A_45 = vector.shape_cast %swap3A_44 : vector<16xf32> to vector<16xf32>
    %swap3A_46 = vector.shape_cast %broadcast_in_dim3A_42 : vector<16xf32> to vector<16xf32>
    tpu.vector_store %arg5[%swap3A_43], %swap3A_46 {strides = array<i32>} : memref<128xf32, #tpu.memory_space<vmem>>, vector<16xf32>,
    %scan3A = arith.constant 0 : i32
    %scan3A_47 = arith.constant 0 : i32
    %scan3A_48 = arith.constant 40 : i32
    %scan3A_49 = arith.addi %scan3A_47, %scan3A_48 : i32
    %scan3A_50 = arith.constant 1 : i32
    scf.for %scan3A_74 = %scan3A_47 to %scan3A_49 step %scan3A_50  : i32 {
      %broadcast_in_dim3A_75 = arith.constant 0.000000e+00 : f32
      %broadcast_in_dim3A_76 = vector.broadcast %broadcast_in_dim3A_75 : f32 to vector<16xf32>
      %mul3A_77 = arith.constant 16 : i32
      %mul3A_78 = arith.muli %scan3A_74, %mul3A_77 : i32
      %swap3A_79 = arith.index_cast %mul3A_78 : i32 to index
      %swap3A_80 = tpu.vector_load %arg6[%swap3A_79] {strides = array<i32>} : memref<640xf32, #tpu.memory_space<vmem>>, vector<16xf32>,
      %swap3A_81 = vector.shape_cast %swap3A_80 : vector<16xf32> to vector<16xf32>
      %swap3A_82 = vector.shape_cast %broadcast_in_dim3A_76 : vector<16xf32> to vector<16xf32>
      tpu.vector_store %arg6[%swap3A_79], %swap3A_82 {strides = array<i32>} : memref<640xf32, #tpu.memory_space<vmem>>, vector<16xf32>,
    }
    %scan3A_51 = arith.constant 40 : i32
    %mul3A_52 = arith.constant 640 : i32
    %mul3A_53 = arith.muli %arg1, %mul3A_52 : i32
    "tpu.region"() ({
      %run_scoped3A = tpu.sem_alloc : memref<!tpu.dma_semaphore, #tpu.memory_space<semaphore_mem>>
      %dma_start3A = tpu.memref_slice %arg8[%mul3A_53] : memref<10240xf32, #tpu.memory_space<vmem_shared>> -> memref<640xf32, #tpu.memory_space<vmem_shared>>
      %dma_start3A_74 = tpu.memref_slice %arg8[%mul3A_53] : memref<10240xf32, #tpu.memory_space<vmem_shared>> -> memref<640xf32, #tpu.memory_space<vmem_shared>>
      tpu.enqueue_dma source(%arg6 : memref<640xf32, #tpu.memory_space<vmem>>) target(%dma_start3A_74 : memref<640xf32, #tpu.memory_space<vmem_shared>>) target_semaphore(%run_scoped3A : memref<!tpu.dma_semaphore, #tpu.memory_space<semaphore_mem>>)
      %dma_wait3A = tpu.memref_slice %arg8[%mul3A_53] : memref<10240xf32, #tpu.memory_space<vmem_shared>> -> memref<640xf32, #tpu.memory_space<vmem_shared>>
      %dma_wait3A_75 = tpu.memref_slice %arg8[%mul3A_53] : memref<10240xf32, #tpu.memory_space<vmem_shared>> -> memref<640xf32, #tpu.memory_space<vmem_shared>>
      tpu.wait_dma2 semaphore(%run_scoped3A : memref<!tpu.dma_semaphore, #tpu.memory_space<semaphore_mem>>) src(%arg6 : memref<640xf32, #tpu.memory_space<vmem>>) dst(%dma_wait3A_75 : memref<640xf32, #tpu.memory_space<vmem_shared>>)
      tpu.yield
    }) : () -> ()
    "tpu.region"() ({
      %run_scoped3A = tpu.sem_alloc : memref<!tpu.dma_semaphore, #tpu.memory_space<semaphore_mem>>
      %dma_start3A = arith.constant 0 : i32
      %dma_start3A_74 = arith.constant 0 : i32
      %dma_start3A_75 = tpu.memref_slice %arg2[%add3A, %dma_start3A, %dma_start3A_74] : memref<32x80x128xi32, #tpu.memory_space<hbm>> -> memref<1x80x128xi32, #tpu.memory_space<hbm>>
      %dma_start3A_76 = tpu.memref_squeeze %dma_start3A_75 : memref<1x80x128xi32, #tpu.memory_space<hbm>> -> memref<80x128xi32, #tpu.memory_space<hbm>>
      %dma_start3A_77 = arith.constant 0 : i32
      %dma_start3A_78 = arith.constant 0 : i32
      %dma_start3A_79 = tpu.memref_slice %arg2[%add3A, %dma_start3A_77, %dma_start3A_78] : memref<32x80x128xi32, #tpu.memory_space<hbm>> -> memref<1x80x128xi32, #tpu.memory_space<hbm>>
      %dma_start3A_80 = tpu.memref_squeeze %dma_start3A_79 : memref<1x80x128xi32, #tpu.memory_space<hbm>> -> memref<80x128xi32, #tpu.memory_space<hbm>>
      tpu.enqueue_dma source(%dma_start3A_80 : memref<80x128xi32, #tpu.memory_space<hbm>>) target(%arg4 : memref<80x128xi32, #tpu.memory_space<vmem>>) target_semaphore(%run_scoped3A : memref<!tpu.dma_semaphore, #tpu.memory_space<semaphore_mem>>)
      %dma_wait3A = arith.constant 0 : i32
      %dma_wait3A_81 = arith.constant 0 : i32
      %dma_wait3A_82 = tpu.memref_slice %arg2[%add3A, %dma_wait3A, %dma_wait3A_81] : memref<32x80x128xi32, #tpu.memory_space<hbm>> -> memref<1x80x128xi32, #tpu.memory_space<hbm>>
      %dma_wait3A_83 = tpu.memref_squeeze %dma_wait3A_82 : memref<1x80x128xi32, #tpu.memory_space<hbm>> -> memref<80x128xi32, #tpu.memory_space<hbm>>
      %dma_wait3A_84 = arith.constant 0 : i32
      %dma_wait3A_85 = arith.constant 0 : i32
      %dma_wait3A_86 = tpu.memref_slice %arg2[%add3A, %dma_wait3A_84, %dma_wait3A_85] : memref<32x80x128xi32, #tpu.memory_space<hbm>> -> memref<1x80x128xi32, #tpu.memory_space<hbm>>
      %dma_wait3A_87 = tpu.memref_squeeze %dma_wait3A_86 : memref<1x80x128xi32, #tpu.memory_space<hbm>> -> memref<80x128xi32, #tpu.memory_space<hbm>>
      tpu.wait_dma2 semaphore(%run_scoped3A : memref<!tpu.dma_semaphore, #tpu.memory_space<semaphore_mem>>) src(%dma_wait3A_87 : memref<80x128xi32, #tpu.memory_space<hbm>>) dst(%arg4 : memref<80x128xi32, #tpu.memory_space<vmem>>)
      tpu.yield
    }) : () -> ()
    %barrier3A = arith.constant 0 : index
    tpu.barrier barrier_id(%barrier3A)
    %scan3A_54 = arith.constant 0 : i32
    %scan3A_55 = arith.constant 0 : i32
    %scan3A_56 = arith.constant 80 : i32
    %scan3A_57 = arith.addi %scan3A_55, %scan3A_56 : i32
    %scan3A_58 = arith.constant 1 : i32
    scf.for %scan3A_74 = %scan3A_55 to %scan3A_57 step %scan3A_58  : i32 {
      %dma_start3A = arith.constant 0 : i32
      %dma_start3A_75 = tpu.memref_slice %arg4[%scan3A_74, %dma_start3A] : memref<80x128xi32, #tpu.memory_space<vmem>> -> memref<1x128xi32, #tpu.memory_space<vmem>>
      %dma_start3A_76 = tpu.memref_squeeze %dma_start3A_75 : memref<1x128xi32, #tpu.memory_space<vmem>> -> memref<128xi32, #tpu.memory_space<vmem>>
      %dma_start3A_77 = arith.constant 0 : i32
      %dma_start3A_78 = tpu.memref_slice %arg8[%dma_start3A_77] : memref<10240xf32, #tpu.memory_space<vmem_shared>> -> memref<10240xf32, #tpu.memory_space<vmem_shared>>
      tpu.enqueue_indirect_dma source(%arg5 : memref<128xf32, #tpu.memory_space<vmem>>) target(%dma_start3A_78 : memref<10240xf32, #tpu.memory_space<vmem_shared>>) offsets(%dma_start3A_76 : memref<128xi32, #tpu.memory_space<vmem>>) semaphore(%arg7 : memref<!tpu.dma_semaphore, #tpu.memory_space<semaphore_mem>>) {add = true}
    }
    %scan3A_59 = arith.constant 80 : i32
    %scan3A_60 = arith.constant 0 : i32
    %scan3A_61 = arith.constant 0 : i32
    %scan3A_62 = arith.constant 80 : i32
    %scan3A_63 = arith.addi %scan3A_61, %scan3A_62 : i32
    %scan3A_64 = arith.constant 1 : i32
    scf.for %scan3A_74 = %scan3A_61 to %scan3A_63 step %scan3A_64  : i32 {
      %dma_wait3A = arith.constant 0 : i32
      %dma_wait3A_75 = tpu.memref_slice %arg3[%dma_wait3A] : memref<20480xf32, #tpu.memory_space<hbm>> -> memref<128xf32, #tpu.memory_space<hbm>>
      %dma_wait3A_76 = arith.constant 0 : i32
      %dma_wait3A_77 = tpu.memref_slice %arg3[%dma_wait3A_76] : memref<20480xf32, #tpu.memory_space<hbm>> -> memref<128xf32, #tpu.memory_space<hbm>>
      tpu.wait_dma2 semaphore(%arg7 : memref<!tpu.dma_semaphore, #tpu.memory_space<semaphore_mem>>) src(%dma_wait3A_77 : memref<128xf32, #tpu.memory_space<hbm>>) dst(%arg5 : memref<128xf32, #tpu.memory_space<vmem>>)
    }
    %scan3A_65 = arith.constant 80 : i32
    %barrier3A_66 = arith.constant 0 : index
    tpu.barrier barrier_id(%barrier3A_66)
    %mul3A_67 = arith.constant 640 : i32
    %mul3A_68 = arith.muli %arg1, %mul3A_67 : i32
    %mul3A_69 = arith.constant 10240 : i32
    %mul3A_70 = arith.muli %arg0, %mul3A_69 : i32
    %mul3A_71 = arith.constant 640 : i32
    %mul3A_72 = arith.muli %arg1, %mul3A_71 : i32
    %add3A_73 = arith.addi %mul3A_70, %mul3A_72 : i32
    "tpu.region"() ({
      %run_scoped3A = tpu.sem_alloc : memref<!tpu.dma_semaphore, #tpu.memory_space<semaphore_mem>>
      %dma_start3A = tpu.memref_slice %arg3[%add3A_73] : memref<20480xf32, #tpu.memory_space<hbm>> -> memref<640xf32, #tpu.memory_space<hbm>>
      %dma_start3A_74 = tpu.memref_slice %arg8[%mul3A_68] : memref<10240xf32, #tpu.memory_space<vmem_shared>> -> memref<640xf32, #tpu.memory_space<vmem_shared>>
      tpu.enqueue_dma source(%dma_start3A_74 : memref<640xf32, #tpu.memory_space<vmem_shared>>) target(%dma_start3A : memref<640xf32, #tpu.memory_space<hbm>>) target_semaphore(%run_scoped3A : memref<!tpu.dma_semaphore, #tpu.memory_space<semaphore_mem>>)
      %dma_wait3A = tpu.memref_slice %arg3[%add3A_73] : memref<20480xf32, #tpu.memory_space<hbm>> -> memref<640xf32, #tpu.memory_space<hbm>>
      %dma_wait3A_75 = tpu.memref_slice %arg8[%mul3A_68] : memref<10240xf32, #tpu.memory_space<vmem_shared>> -> memref<640xf32, #tpu.memory_space<vmem_shared>>
      tpu.wait_dma2 semaphore(%run_scoped3A : memref<!tpu.dma_semaphore, #tpu.memory_space<semaphore_mem>>) src(%dma_wait3A_75 : memref<640xf32, #tpu.memory_space<vmem_shared>>) dst(%dma_wait3A : memref<640xf32, #tpu.memory_space<hbm>>)
      tpu.yield
    }) : () -> ()
    return
  }
}

#map = affine_map<(d0, d1) -> (0)>
module attributes {stable_mosaic.version = 14 : i64} {
  func.func @_edge_aggregate(%arg0: i32, %arg1: i32, %arg2: memref<655360xf32, #tpu.memory_space<hbm>>, %arg3: memref<327680xi32, #tpu.memory_space<hbm>>, %arg4: memref<327680xi32, #tpu.memory_space<hbm>>, %arg5: memref<1310720xf32, #tpu.memory_space<hbm>>, %arg6: memref<20480xf32, #tpu.memory_space<vmem>>, %arg7: memref<40960xf32, #tpu.memory_space<vmem>>, %arg8: memref<4096xi32, #tpu.memory_space<vmem>>, %arg9: memref<4096xi32, #tpu.memory_space<vmem>>, %arg10: memref<4096xi32, #tpu.memory_space<vmem>>, %arg11: memref<4096xi32, #tpu.memory_space<vmem>>, %arg12: memref<!tpu.dma_semaphore, #tpu.memory_space<semaphore_mem>>, %arg13: memref<!tpu.dma_semaphore, #tpu.memory_space<semaphore_mem>>, %arg14: memref<327680xi32, #tpu.memory_space<vmem_shared>>, %arg15: memref<327680xi32, #tpu.memory_space<vmem_shared>>) attributes {dimension_semantics = [#tpu.dimension_semantics<core_parallel>, #tpu.dimension_semantics<subcore_parallel>], iteration_bounds = array<i64: 2, 16>, scalar_prefetch = 0 : i64, scratch_operands = 10 : i64, tpu.core_type = #tpu.core_type<sc_vector_subcore>, window_params = [{transform_indices = #map}, {transform_indices = #map}, {transform_indices = #map}, {transform_indices = #map}]} {
    %mul3A = arith.constant 16 : i32
    %mul3A_0 = arith.muli %arg0, %mul3A : i32
    %add3A = arith.addi %mul3A_0, %arg1 : i32
    %mul3A_1 = arith.constant 4 : i32
    %mul3A_2 = arith.muli %add3A, %mul3A_1 : i32
    %mul3A_3 = arith.constant 10240 : i32
    %mul3A_4 = arith.muli %mul3A_2, %mul3A_3 : i32
    %mul3A_5 = arith.constant 2 : i32
    %mul3A_6 = arith.muli %add3A, %mul3A_5 : i32
    %mul3A_7 = arith.constant 10240 : i32
    %mul3A_8 = arith.muli %mul3A_6, %mul3A_7 : i32
    %mul3A_9 = arith.constant 20480 : i32
    %mul3A_10 = arith.muli %arg1, %mul3A_9 : i32
    %mul3A_11 = arith.constant 20480 : i32
    %mul3A_12 = arith.muli %arg1, %mul3A_11 : i32
    "tpu.region"() ({
      %run_scoped3A = tpu.sem_alloc : memref<!tpu.dma_semaphore, #tpu.memory_space<semaphore_mem>>
      %dma_start3A_46 = tpu.memref_slice %arg14[%mul3A_12] : memref<327680xi32, #tpu.memory_space<vmem_shared>> -> memref<20480xi32, #tpu.memory_space<vmem_shared>>
      %dma_start3A_47 = tpu.memref_slice %arg3[%mul3A_10] : memref<327680xi32, #tpu.memory_space<hbm>> -> memref<20480xi32, #tpu.memory_space<hbm>>
      tpu.enqueue_dma source(%dma_start3A_47 : memref<20480xi32, #tpu.memory_space<hbm>>) target(%dma_start3A_46 : memref<20480xi32, #tpu.memory_space<vmem_shared>>) target_semaphore(%run_scoped3A : memref<!tpu.dma_semaphore, #tpu.memory_space<semaphore_mem>>)
      %dma_wait3A = tpu.memref_slice %arg14[%mul3A_12] : memref<327680xi32, #tpu.memory_space<vmem_shared>> -> memref<20480xi32, #tpu.memory_space<vmem_shared>>
      %dma_wait3A_48 = tpu.memref_slice %arg3[%mul3A_10] : memref<327680xi32, #tpu.memory_space<hbm>> -> memref<20480xi32, #tpu.memory_space<hbm>>
      tpu.wait_dma2 semaphore(%run_scoped3A : memref<!tpu.dma_semaphore, #tpu.memory_space<semaphore_mem>>) src(%dma_wait3A_48 : memref<20480xi32, #tpu.memory_space<hbm>>) dst(%dma_wait3A : memref<20480xi32, #tpu.memory_space<vmem_shared>>)
      tpu.yield
    }) : () -> ()
    %mul3A_13 = arith.constant 20480 : i32
    %mul3A_14 = arith.muli %arg1, %mul3A_13 : i32
    %mul3A_15 = arith.constant 20480 : i32
    %mul3A_16 = arith.muli %arg1, %mul3A_15 : i32
    "tpu.region"() ({
      %run_scoped3A = tpu.sem_alloc : memref<!tpu.dma_semaphore, #tpu.memory_space<semaphore_mem>>
      %dma_start3A_46 = tpu.memref_slice %arg15[%mul3A_16] : memref<327680xi32, #tpu.memory_space<vmem_shared>> -> memref<20480xi32, #tpu.memory_space<vmem_shared>>
      %dma_start3A_47 = tpu.memref_slice %arg4[%mul3A_14] : memref<327680xi32, #tpu.memory_space<hbm>> -> memref<20480xi32, #tpu.memory_space<hbm>>
      tpu.enqueue_dma source(%dma_start3A_47 : memref<20480xi32, #tpu.memory_space<hbm>>) target(%dma_start3A_46 : memref<20480xi32, #tpu.memory_space<vmem_shared>>) target_semaphore(%run_scoped3A : memref<!tpu.dma_semaphore, #tpu.memory_space<semaphore_mem>>)
      %dma_wait3A = tpu.memref_slice %arg15[%mul3A_16] : memref<327680xi32, #tpu.memory_space<vmem_shared>> -> memref<20480xi32, #tpu.memory_space<vmem_shared>>
      %dma_wait3A_48 = tpu.memref_slice %arg4[%mul3A_14] : memref<327680xi32, #tpu.memory_space<hbm>> -> memref<20480xi32, #tpu.memory_space<hbm>>
      tpu.wait_dma2 semaphore(%run_scoped3A : memref<!tpu.dma_semaphore, #tpu.memory_space<semaphore_mem>>) src(%dma_wait3A_48 : memref<20480xi32, #tpu.memory_space<hbm>>) dst(%dma_wait3A : memref<20480xi32, #tpu.memory_space<vmem_shared>>)
      tpu.yield
    }) : () -> ()
    "tpu.region"() ({
      %run_scoped3A = tpu.sem_alloc : memref<!tpu.dma_semaphore, #tpu.memory_space<semaphore_mem>>
      %dma_start3A_46 = tpu.memref_slice %arg2[%mul3A_8] : memref<655360xf32, #tpu.memory_space<hbm>> -> memref<20480xf32, #tpu.memory_space<hbm>>
      %dma_start3A_47 = tpu.memref_slice %arg2[%mul3A_8] : memref<655360xf32, #tpu.memory_space<hbm>> -> memref<20480xf32, #tpu.memory_space<hbm>>
      tpu.enqueue_dma source(%dma_start3A_47 : memref<20480xf32, #tpu.memory_space<hbm>>) target(%arg6 : memref<20480xf32, #tpu.memory_space<vmem>>) target_semaphore(%run_scoped3A : memref<!tpu.dma_semaphore, #tpu.memory_space<semaphore_mem>>)
      %dma_wait3A = tpu.memref_slice %arg2[%mul3A_8] : memref<655360xf32, #tpu.memory_space<hbm>> -> memref<20480xf32, #tpu.memory_space<hbm>>
      %dma_wait3A_48 = tpu.memref_slice %arg2[%mul3A_8] : memref<655360xf32, #tpu.memory_space<hbm>> -> memref<20480xf32, #tpu.memory_space<hbm>>
      tpu.wait_dma2 semaphore(%run_scoped3A : memref<!tpu.dma_semaphore, #tpu.memory_space<semaphore_mem>>) src(%dma_wait3A_48 : memref<20480xf32, #tpu.memory_space<hbm>>) dst(%arg6 : memref<20480xf32, #tpu.memory_space<vmem>>)
      tpu.yield
    }) : () -> ()
    %scan3A = arith.constant 0 : i32
    %scan3A_17 = arith.constant 0 : i32
    %scan3A_18 = arith.constant 2560 : i32
    %scan3A_19 = arith.addi %scan3A_17, %scan3A_18 : i32
    %scan3A_20 = arith.constant 1 : i32
    scf.for %scan3A_46 = %scan3A_17 to %scan3A_19 step %scan3A_20  : i32 {
      %broadcast_in_dim3A_47 = arith.constant 0.000000e+00 : f32
      %broadcast_in_dim3A_48 = vector.broadcast %broadcast_in_dim3A_47 : f32 to vector<16xf32>
      %mul3A_49 = arith.constant 16 : i32
      %mul3A_50 = arith.muli %scan3A_46, %mul3A_49 : i32
      %swap3A = arith.index_cast %mul3A_50 : i32 to index
      %swap3A_51 = tpu.vector_load %arg7[%swap3A] {strides = array<i32>} : memref<40960xf32, #tpu.memory_space<vmem>>, vector<16xf32>,
      tpu.vector_store %arg7[%swap3A], %broadcast_in_dim3A_48 {strides = array<i32>} : memref<40960xf32, #tpu.memory_space<vmem>>, vector<16xf32>,
    }
    %scan3A_21 = arith.constant 2560 : i32
    %barrier3A = arith.constant 0 : index
    tpu.barrier barrier_id(%barrier3A)
    %dma_start3A = arith.constant 0 : i32
    %dma_start3A_22 = tpu.memref_slice %arg14[%dma_start3A] : memref<327680xi32, #tpu.memory_space<vmem_shared>> -> memref<4096xi32, #tpu.memory_space<vmem_shared>>
    %dma_start3A_23 = arith.constant 0 : i32
    %dma_start3A_24 = tpu.memref_slice %arg14[%dma_start3A_23] : memref<327680xi32, #tpu.memory_space<vmem_shared>> -> memref<4096xi32, #tpu.memory_space<vmem_shared>>
    tpu.enqueue_dma source(%dma_start3A_24 : memref<4096xi32, #tpu.memory_space<vmem_shared>>) target(%arg8 : memref<4096xi32, #tpu.memory_space<vmem>>) target_semaphore(%arg12 : memref<!tpu.dma_semaphore, #tpu.memory_space<semaphore_mem>>)
    %dma_start3A_25 = arith.constant 0 : i32
    %dma_start3A_26 = tpu.memref_slice %arg15[%dma_start3A_25] : memref<327680xi32, #tpu.memory_space<vmem_shared>> -> memref<4096xi32, #tpu.memory_space<vmem_shared>>
    %dma_start3A_27 = arith.constant 0 : i32
    %dma_start3A_28 = tpu.memref_slice %arg15[%dma_start3A_27] : memref<327680xi32, #tpu.memory_space<vmem_shared>> -> memref<4096xi32, #tpu.memory_space<vmem_shared>>
    tpu.enqueue_dma source(%dma_start3A_28 : memref<4096xi32, #tpu.memory_space<vmem_shared>>) target(%arg10 : memref<4096xi32, #tpu.memory_space<vmem>>) target_semaphore(%arg12 : memref<!tpu.dma_semaphore, #tpu.memory_space<semaphore_mem>>)
    %broadcast_in_dim3A = arith.constant 0 : i32
    %broadcast_in_dim3A_29 = vector.broadcast %broadcast_in_dim3A : i32 to vector<16xi32>
    %broadcast_in_dim3A_30 = arith.constant 10240 : i32
    %broadcast_in_dim3A_31 = vector.broadcast %broadcast_in_dim3A_30 : i32 to vector<16xi32>
    %broadcast_in_dim3A_32 = arith.constant 20480 : i32
    %broadcast_in_dim3A_33 = vector.broadcast %broadcast_in_dim3A_32 : i32 to vector<16xi32>
    %broadcast_in_dim3A_34 = arith.constant 30720 : i32
    %broadcast_in_dim3A_35 = vector.broadcast %broadcast_in_dim3A_34 : i32 to vector<16xi32>
    %broadcast_in_dim3A_36 = arith.constant 0 : i32
    %broadcast_in_dim3A_37 = vector.broadcast %broadcast_in_dim3A_36 : i32 to vector<16xi32>
    %broadcast_in_dim3A_38 = arith.constant 10240 : i32
    %broadcast_in_dim3A_39 = vector.broadcast %broadcast_in_dim3A_38 : i32 to vector<16xi32>
    %scan3A_40 = arith.constant 0 : i32
    %scan3A_41 = arith.constant 0 : i32
    %scan3A_42 = arith.constant 80 : i32
    %scan3A_43 = arith.addi %scan3A_41, %scan3A_42 : i32
    %scan3A_44 = arith.constant 1 : i32
    scf.for %scan3A_46 = %scan3A_41 to %scan3A_43 step %scan3A_44  : i32 {
      %jit3A = arith.constant 2 : i32
      %eq3A = arith.constant 0 : i32
      %eq3A_47 = arith.cmpi eq, %jit3A, %eq3A : i32
      %jit3A_48 = arith.constant 1 : i32
      %select_n3A = arith.select %eq3A_47, %jit3A_48, %jit3A : i32
      %rem3A = arith.remsi %scan3A_46, %select_n3A : i32
      %ne3A = arith.constant 0 : i32
      %ne3A_49 = arith.cmpi ne, %rem3A, %ne3A : i32
      %lt3A = arith.constant 0 : i32
      %lt3A_50 = arith.cmpi slt, %rem3A, %lt3A : i32
      %lt3A_51 = arith.constant 0 : i32
      %lt3A_52 = arith.cmpi slt, %select_n3A, %lt3A_51 : i32
      %ne3A_53 = arith.xori %lt3A_50, %lt3A_52 : i1
      %and3A = arith.andi %ne3A_53, %ne3A_49 : i1
      %add3A_54 = arith.addi %rem3A, %select_n3A : i32
      %select_n3A_55 = arith.select %and3A, %add3A_54, %rem3A : i32
      %eq3A_56 = arith.constant 0 : i32
      %eq3A_57 = arith.cmpi eq, %select_n3A_55, %eq3A_56 : i32
      %convert_element_type3A = arith.extui %eq3A_57 : i1 to i32
      %cond3A = arith.constant 0 : i32
      %cond3A_58 = arith.cmpi ne, %convert_element_type3A, %cond3A : i32
      scf.if %cond3A_58 {
        %dma_wait3A = arith.constant 0 : i32
        %dma_wait3A_80 = tpu.memref_slice %arg3[%dma_wait3A] : memref<327680xi32, #tpu.memory_space<hbm>> -> memref<4096xi32, #tpu.memory_space<hbm>>
        %dma_wait3A_81 = arith.constant 0 : i32
        %dma_wait3A_82 = tpu.memref_slice %arg3[%dma_wait3A_81] : memref<327680xi32, #tpu.memory_space<hbm>> -> memref<4096xi32, #tpu.memory_space<hbm>>
        tpu.wait_dma2 semaphore(%arg12 : memref<!tpu.dma_semaphore, #tpu.memory_space<semaphore_mem>>) src(%dma_wait3A_82 : memref<4096xi32, #tpu.memory_space<hbm>>) dst(%arg8 : memref<4096xi32, #tpu.memory_space<vmem>>)
        %dma_wait3A_83 = arith.constant 0 : i32
        %dma_wait3A_84 = tpu.memref_slice %arg3[%dma_wait3A_83] : memref<327680xi32, #tpu.memory_space<hbm>> -> memref<4096xi32, #tpu.memory_space<hbm>>
        %dma_wait3A_85 = arith.constant 0 : i32
        %dma_wait3A_86 = tpu.memref_slice %arg3[%dma_wait3A_85] : memref<327680xi32, #tpu.memory_space<hbm>> -> memref<4096xi32, #tpu.memory_space<hbm>>
        tpu.wait_dma2 semaphore(%arg12 : memref<!tpu.dma_semaphore, #tpu.memory_space<semaphore_mem>>) src(%dma_wait3A_86 : memref<4096xi32, #tpu.memory_space<hbm>>) dst(%arg8 : memref<4096xi32, #tpu.memory_space<vmem>>)
        %add3A_87 = arith.constant 1 : i32
        %add3A_88 = arith.addi %scan3A_46, %add3A_87 : i32
        %lt3A_89 = arith.constant 80 : i32
        %lt3A_90 = arith.cmpi slt, %add3A_88, %lt3A_89 : i32
        %convert_element_type3A_91 = arith.extui %lt3A_90 : i1 to i32
        %cond3A_92 = arith.constant 0 : i32
        %cond3A_93 = arith.cmpi ne, %convert_element_type3A_91, %cond3A_92 : i32
        scf.if %cond3A_93 {
          %add3A_100 = arith.constant 1 : i32
          %add3A_101 = arith.addi %scan3A_46, %add3A_100 : i32
          %mul3A_102 = arith.constant 4096 : i32
          %mul3A_103 = arith.muli %add3A_101, %mul3A_102 : i32
          %dma_start3A_104 = tpu.memref_slice %arg14[%mul3A_103] : memref<327680xi32, #tpu.memory_space<vmem_shared>> -> memref<4096xi32, #tpu.memory_space<vmem_shared>>
          %dma_start3A_105 = tpu.memref_slice %arg14[%mul3A_103] : memref<327680xi32, #tpu.memory_space<vmem_shared>> -> memref<4096xi32, #tpu.memory_space<vmem_shared>>
          tpu.enqueue_dma source(%dma_start3A_105 : memref<4096xi32, #tpu.memory_space<vmem_shared>>) target(%arg9 : memref<4096xi32, #tpu.memory_space<vmem>>) target_semaphore(%arg13 : memref<!tpu.dma_semaphore, #tpu.memory_space<semaphore_mem>>)
          %mul3A_106 = arith.constant 4096 : i32
          %mul3A_107 = arith.muli %add3A_101, %mul3A_106 : i32
          %dma_start3A_108 = tpu.memref_slice %arg15[%mul3A_107] : memref<327680xi32, #tpu.memory_space<vmem_shared>> -> memref<4096xi32, #tpu.memory_space<vmem_shared>>
          %dma_start3A_109 = tpu.memref_slice %arg15[%mul3A_107] : memref<327680xi32, #tpu.memory_space<vmem_shared>> -> memref<4096xi32, #tpu.memory_space<vmem_shared>>
          tpu.enqueue_dma source(%dma_start3A_109 : memref<4096xi32, #tpu.memory_space<vmem_shared>>) target(%arg11 : memref<4096xi32, #tpu.memory_space<vmem>>) target_semaphore(%arg13 : memref<!tpu.dma_semaphore, #tpu.memory_space<semaphore_mem>>)
        } else {
        }
        %scan3A_94 = arith.constant 0 : i32
        %scan3A_95 = arith.constant 0 : i32
        %scan3A_96 = arith.constant 64 : i32
        %scan3A_97 = arith.addi %scan3A_95, %scan3A_96 : i32
        %scan3A_98 = arith.constant 1 : i32
        scf.for %scan3A_100 = %scan3A_95 to %scan3A_97 step %scan3A_98  : i32 {
          %mul3A_101 = arith.constant 4 : i32
          %mul3A_102 = arith.muli %scan3A_100, %mul3A_101 : i32
          %add3A_103 = arith.constant 0 : i32
          %add3A_104 = arith.addi %mul3A_102, %add3A_103 : i32
          %mul3A_105 = arith.constant 16 : i32
          %mul3A_106 = arith.muli %add3A_104, %mul3A_105 : i32
          %get3A = arith.index_cast %mul3A_106 : i32 to index
          %get3A_107 = tpu.vector_load %arg8[%get3A] {strides = array<i32>} : memref<4096xi32, #tpu.memory_space<vmem>>, vector<16xi32>,
          %mul3A_108 = arith.constant 4 : i32
          %mul3A_109 = arith.muli %scan3A_100, %mul3A_108 : i32
          %add3A_110 = arith.constant 0 : i32
          %add3A_111 = arith.addi %mul3A_109, %add3A_110 : i32
          %mul3A_112 = arith.constant 16 : i32
          %mul3A_113 = arith.muli %add3A_111, %mul3A_112 : i32
          %get3A_114 = arith.index_cast %mul3A_113 : i32 to index
          %get3A_115 = tpu.vector_load %arg10[%get3A_114] {strides = array<i32>} : memref<4096xi32, #tpu.memory_space<vmem>>, vector<16xi32>,
          %add3A_116 = arith.addi %get3A_107, %broadcast_in_dim3A_37 : vector<16xi32>
          %gather3A = tpu.vector_load_idx %arg6[%add3A_116] : memref<20480xf32, #tpu.memory_space<vmem>>[vector<16xi32>], vector<16xf32>,
          %add3A_117 = arith.addi %get3A_107, %broadcast_in_dim3A_39 : vector<16xi32>
          %gather3A_118 = tpu.vector_load_idx %arg6[%add3A_117] : memref<20480xf32, #tpu.memory_space<vmem>>[vector<16xi32>], vector<16xf32>,
          %mul3A_119 = arith.constant 4 : i32
          %mul3A_120 = arith.muli %scan3A_100, %mul3A_119 : i32
          %add3A_121 = arith.constant 1 : i32
          %add3A_122 = arith.addi %mul3A_120, %add3A_121 : i32
          %mul3A_123 = arith.constant 16 : i32
          %mul3A_124 = arith.muli %add3A_122, %mul3A_123 : i32
          %get3A_125 = arith.index_cast %mul3A_124 : i32 to index
          %get3A_126 = tpu.vector_load %arg8[%get3A_125] {strides = array<i32>} : memref<4096xi32, #tpu.memory_space<vmem>>, vector<16xi32>,
          %mul3A_127 = arith.constant 4 : i32
          %mul3A_128 = arith.muli %scan3A_100, %mul3A_127 : i32
          %add3A_129 = arith.constant 1 : i32
          %add3A_130 = arith.addi %mul3A_128, %add3A_129 : i32
          %mul3A_131 = arith.constant 16 : i32
          %mul3A_132 = arith.muli %add3A_130, %mul3A_131 : i32
          %get3A_133 = arith.index_cast %mul3A_132 : i32 to index
          %get3A_134 = tpu.vector_load %arg10[%get3A_133] {strides = array<i32>} : memref<4096xi32, #tpu.memory_space<vmem>>, vector<16xi32>,
          %add3A_135 = arith.addi %get3A_126, %broadcast_in_dim3A_37 : vector<16xi32>
          %gather3A_136 = tpu.vector_load_idx %arg6[%add3A_135] : memref<20480xf32, #tpu.memory_space<vmem>>[vector<16xi32>], vector<16xf32>,
          %add3A_137 = arith.addi %get3A_126, %broadcast_in_dim3A_39 : vector<16xi32>
          %gather3A_138 = tpu.vector_load_idx %arg6[%add3A_137] : memref<20480xf32, #tpu.memory_space<vmem>>[vector<16xi32>], vector<16xf32>,
          %mul3A_139 = arith.constant 4 : i32
          %mul3A_140 = arith.muli %scan3A_100, %mul3A_139 : i32
          %add3A_141 = arith.constant 2 : i32
          %add3A_142 = arith.addi %mul3A_140, %add3A_141 : i32
          %mul3A_143 = arith.constant 16 : i32
          %mul3A_144 = arith.muli %add3A_142, %mul3A_143 : i32
          %get3A_145 = arith.index_cast %mul3A_144 : i32 to index
          %get3A_146 = tpu.vector_load %arg8[%get3A_145] {strides = array<i32>} : memref<4096xi32, #tpu.memory_space<vmem>>, vector<16xi32>,
          %mul3A_147 = arith.constant 4 : i32
          %mul3A_148 = arith.muli %scan3A_100, %mul3A_147 : i32
          %add3A_149 = arith.constant 2 : i32
          %add3A_150 = arith.addi %mul3A_148, %add3A_149 : i32
          %mul3A_151 = arith.constant 16 : i32
          %mul3A_152 = arith.muli %add3A_150, %mul3A_151 : i32
          %get3A_153 = arith.index_cast %mul3A_152 : i32 to index
          %get3A_154 = tpu.vector_load %arg10[%get3A_153] {strides = array<i32>} : memref<4096xi32, #tpu.memory_space<vmem>>, vector<16xi32>,
          %add3A_155 = arith.addi %get3A_146, %broadcast_in_dim3A_37 : vector<16xi32>
          %gather3A_156 = tpu.vector_load_idx %arg6[%add3A_155] : memref<20480xf32, #tpu.memory_space<vmem>>[vector<16xi32>], vector<16xf32>,
          %add3A_157 = arith.addi %get3A_146, %broadcast_in_dim3A_39 : vector<16xi32>
          %gather3A_158 = tpu.vector_load_idx %arg6[%add3A_157] : memref<20480xf32, #tpu.memory_space<vmem>>[vector<16xi32>], vector<16xf32>,
          %mul3A_159 = arith.constant 4 : i32
          %mul3A_160 = arith.muli %scan3A_100, %mul3A_159 : i32
          %add3A_161 = arith.constant 3 : i32
          %add3A_162 = arith.addi %mul3A_160, %add3A_161 : i32
          %mul3A_163 = arith.constant 16 : i32
          %mul3A_164 = arith.muli %add3A_162, %mul3A_163 : i32
          %get3A_165 = arith.index_cast %mul3A_164 : i32 to index
          %get3A_166 = tpu.vector_load %arg8[%get3A_165] {strides = array<i32>} : memref<4096xi32, #tpu.memory_space<vmem>>, vector<16xi32>,
          %mul3A_167 = arith.constant 4 : i32
          %mul3A_168 = arith.muli %scan3A_100, %mul3A_167 : i32
          %add3A_169 = arith.constant 3 : i32
          %add3A_170 = arith.addi %mul3A_168, %add3A_169 : i32
          %mul3A_171 = arith.constant 16 : i32
          %mul3A_172 = arith.muli %add3A_170, %mul3A_171 : i32
          %get3A_173 = arith.index_cast %mul3A_172 : i32 to index
          %get3A_174 = tpu.vector_load %arg10[%get3A_173] {strides = array<i32>} : memref<4096xi32, #tpu.memory_space<vmem>>, vector<16xi32>,
          %add3A_175 = arith.addi %get3A_166, %broadcast_in_dim3A_37 : vector<16xi32>
          %gather3A_176 = tpu.vector_load_idx %arg6[%add3A_175] : memref<20480xf32, #tpu.memory_space<vmem>>[vector<16xi32>], vector<16xf32>,
          %add3A_177 = arith.addi %get3A_166, %broadcast_in_dim3A_39 : vector<16xi32>
          %gather3A_178 = tpu.vector_load_idx %arg6[%add3A_177] : memref<20480xf32, #tpu.memory_space<vmem>>[vector<16xi32>], vector<16xf32>,
          %bitcast3A = vector.bitcast %gather3A : vector<16xf32> to vector<32xbf16>
          %unpack3A = tpu.unpack_subelements %bitcast3A, 0 {pack_format = #tpu.pack_format<interleaved>} : vector<32xbf16> -> vector<16xf32>
          %unpack3A_179 = tpu.unpack_subelements %bitcast3A, 1 {pack_format = #tpu.pack_format<interleaved>} : vector<32xbf16> -> vector<16xf32>
          %add3A_180 = arith.addi %get3A_115, %broadcast_in_dim3A_29 : vector<16xi32>
          tpu.vector_store_idx %arg7[%add3A_180], %unpack3A {add = true} : memref<40960xf32, #tpu.memory_space<vmem>>[vector<16xi32>], vector<16xf32>,
          %add3A_181 = arith.addi %get3A_115, %broadcast_in_dim3A_31 : vector<16xi32>
          tpu.vector_store_idx %arg7[%add3A_181], %unpack3A_179 {add = true} : memref<40960xf32, #tpu.memory_space<vmem>>[vector<16xi32>], vector<16xf32>,
          %bitcast3A_182 = vector.bitcast %gather3A_118 : vector<16xf32> to vector<32xbf16>
          %unpack3A_183 = tpu.unpack_subelements %bitcast3A_182, 0 {pack_format = #tpu.pack_format<interleaved>} : vector<32xbf16> -> vector<16xf32>
          %unpack3A_184 = tpu.unpack_subelements %bitcast3A_182, 1 {pack_format = #tpu.pack_format<interleaved>} : vector<32xbf16> -> vector<16xf32>
          %add3A_185 = arith.addi %get3A_115, %broadcast_in_dim3A_33 : vector<16xi32>
          tpu.vector_store_idx %arg7[%add3A_185], %unpack3A_183 {add = true} : memref<40960xf32, #tpu.memory_space<vmem>>[vector<16xi32>], vector<16xf32>,
          %add3A_186 = arith.addi %get3A_115, %broadcast_in_dim3A_35 : vector<16xi32>
          tpu.vector_store_idx %arg7[%add3A_186], %unpack3A_184 {add = true} : memref<40960xf32, #tpu.memory_space<vmem>>[vector<16xi32>], vector<16xf32>,
          %bitcast3A_187 = vector.bitcast %gather3A_136 : vector<16xf32> to vector<32xbf16>
          %unpack3A_188 = tpu.unpack_subelements %bitcast3A_187, 0 {pack_format = #tpu.pack_format<interleaved>} : vector<32xbf16> -> vector<16xf32>
          %unpack3A_189 = tpu.unpack_subelements %bitcast3A_187, 1 {pack_format = #tpu.pack_format<interleaved>} : vector<32xbf16> -> vector<16xf32>
          %add3A_190 = arith.addi %get3A_134, %broadcast_in_dim3A_29 : vector<16xi32>
          tpu.vector_store_idx %arg7[%add3A_190], %unpack3A_188 {add = true} : memref<40960xf32, #tpu.memory_space<vmem>>[vector<16xi32>], vector<16xf32>,
          %add3A_191 = arith.addi %get3A_134, %broadcast_in_dim3A_31 : vector<16xi32>
          tpu.vector_store_idx %arg7[%add3A_191], %unpack3A_189 {add = true} : memref<40960xf32, #tpu.memory_space<vmem>>[vector<16xi32>], vector<16xf32>,
          %bitcast3A_192 = vector.bitcast %gather3A_138 : vector<16xf32> to vector<32xbf16>
          %unpack3A_193 = tpu.unpack_subelements %bitcast3A_192, 0 {pack_format = #tpu.pack_format<interleaved>} : vector<32xbf16> -> vector<16xf32>
          %unpack3A_194 = tpu.unpack_subelements %bitcast3A_192, 1 {pack_format = #tpu.pack_format<interleaved>} : vector<32xbf16> -> vector<16xf32>
          %add3A_195 = arith.addi %get3A_134, %broadcast_in_dim3A_33 : vector<16xi32>
          tpu.vector_store_idx %arg7[%add3A_195], %unpack3A_193 {add = true} : memref<40960xf32, #tpu.memory_space<vmem>>[vector<16xi32>], vector<16xf32>,
          %add3A_196 = arith.addi %get3A_134, %broadcast_in_dim3A_35 : vector<16xi32>
          tpu.vector_store_idx %arg7[%add3A_196], %unpack3A_194 {add = true} : memref<40960xf32, #tpu.memory_space<vmem>>[vector<16xi32>], vector<16xf32>,
          %bitcast3A_197 = vector.bitcast %gather3A_156 : vector<16xf32> to vector<32xbf16>
          %unpack3A_198 = tpu.unpack_subelements %bitcast3A_197, 0 {pack_format = #tpu.pack_format<interleaved>} : vector<32xbf16> -> vector<16xf32>
          %unpack3A_199 = tpu.unpack_subelements %bitcast3A_197, 1 {pack_format = #tpu.pack_format<interleaved>} : vector<32xbf16> -> vector<16xf32>
          %add3A_200 = arith.addi %get3A_154, %broadcast_in_dim3A_29 : vector<16xi32>
          tpu.vector_store_idx %arg7[%add3A_200], %unpack3A_198 {add = true} : memref<40960xf32, #tpu.memory_space<vmem>>[vector<16xi32>], vector<16xf32>,
          %add3A_201 = arith.addi %get3A_154, %broadcast_in_dim3A_31 : vector<16xi32>
          tpu.vector_store_idx %arg7[%add3A_201], %unpack3A_199 {add = true} : memref<40960xf32, #tpu.memory_space<vmem>>[vector<16xi32>], vector<16xf32>,
          %bitcast3A_202 = vector.bitcast %gather3A_158 : vector<16xf32> to vector<32xbf16>
          %unpack3A_203 = tpu.unpack_subelements %bitcast3A_202, 0 {pack_format = #tpu.pack_format<interleaved>} : vector<32xbf16> -> vector<16xf32>
          %unpack3A_204 = tpu.unpack_subelements %bitcast3A_202, 1 {pack_format = #tpu.pack_format<interleaved>} : vector<32xbf16> -> vector<16xf32>
          %add3A_205 = arith.addi %get3A_154, %broadcast_in_dim3A_33 : vector<16xi32>
          tpu.vector_store_idx %arg7[%add3A_205], %unpack3A_203 {add = true} : memref<40960xf32, #tpu.memory_space<vmem>>[vector<16xi32>], vector<16xf32>,
          %add3A_206 = arith.addi %get3A_154, %broadcast_in_dim3A_35 : vector<16xi32>
          tpu.vector_store_idx %arg7[%add3A_206], %unpack3A_204 {add = true} : memref<40960xf32, #tpu.memory_space<vmem>>[vector<16xi32>], vector<16xf32>,
          %bitcast3A_207 = vector.bitcast %gather3A_176 : vector<16xf32> to vector<32xbf16>
          %unpack3A_208 = tpu.unpack_subelements %bitcast3A_207, 0 {pack_format = #tpu.pack_format<interleaved>} : vector<32xbf16> -> vector<16xf32>
          %unpack3A_209 = tpu.unpack_subelements %bitcast3A_207, 1 {pack_format = #tpu.pack_format<interleaved>} : vector<32xbf16> -> vector<16xf32>
          %add3A_210 = arith.addi %get3A_174, %broadcast_in_dim3A_29 : vector<16xi32>
          tpu.vector_store_idx %arg7[%add3A_210], %unpack3A_208 {add = true} : memref<40960xf32, #tpu.memory_space<vmem>>[vector<16xi32>], vector<16xf32>,
          %add3A_211 = arith.addi %get3A_174, %broadcast_in_dim3A_31 : vector<16xi32>
          tpu.vector_store_idx %arg7[%add3A_211], %unpack3A_209 {add = true} : memref<40960xf32, #tpu.memory_space<vmem>>[vector<16xi32>], vector<16xf32>,
          %bitcast3A_212 = vector.bitcast %gather3A_178 : vector<16xf32> to vector<32xbf16>
          %unpack3A_213 = tpu.unpack_subelements %bitcast3A_212, 0 {pack_format = #tpu.pack_format<interleaved>} : vector<32xbf16> -> vector<16xf32>
          %unpack3A_214 = tpu.unpack_subelements %bitcast3A_212, 1 {pack_format = #tpu.pack_format<interleaved>} : vector<32xbf16> -> vector<16xf32>
          %add3A_215 = arith.addi %get3A_174, %broadcast_in_dim3A_33 : vector<16xi32>
          tpu.vector_store_idx %arg7[%add3A_215], %unpack3A_213 {add = true} : memref<40960xf32, #tpu.memory_space<vmem>>[vector<16xi32>], vector<16xf32>,
          %add3A_216 = arith.addi %get3A_174, %broadcast_in_dim3A_35 : vector<16xi32>
          tpu.vector_store_idx %arg7[%add3A_216], %unpack3A_214 {add = true} : memref<40960xf32, #tpu.memory_space<vmem>>[vector<16xi32>], vector<16xf32>,
        }
        %scan3A_99 = arith.constant 64 : i32
      } else {
      }
      %jit3A_59 = arith.constant 2 : i32
      %eq3A_60 = arith.constant 0 : i32
      %eq3A_61 = arith.cmpi eq, %jit3A_59, %eq3A_60 : i32
      %jit3A_62 = arith.constant 1 : i32
      %select_n3A_63 = arith.select %eq3A_61, %jit3A_62, %jit3A_59 : i32
      %rem3A_64 = arith.remsi %scan3A_46, %select_n3A_63 : i32
      %ne3A_65 = arith.constant 0 : i32
      %ne3A_66 = arith.cmpi ne, %rem3A_64, %ne3A_65 : i32
      %lt3A_67 = arith.constant 0 : i32
      %lt3A_68 = arith.cmpi slt, %rem3A_64, %lt3A_67 : i32
      %lt3A_69 = arith.constant 0 : i32
      %lt3A_70 = arith.cmpi slt, %select_n3A_63, %lt3A_69 : i32
      %ne3A_71 = arith.xori %lt3A_68, %lt3A_70 : i1
      %and3A_72 = arith.andi %ne3A_71, %ne3A_66 : i1
      %add3A_73 = arith.addi %rem3A_64, %select_n3A_63 : i32
      %select_n3A_74 = arith.select %and3A_72, %add3A_73, %rem3A_64 : i32
      %eq3A_75 = arith.constant 1 : i32
      %eq3A_76 = arith.cmpi eq, %select_n3A_74, %eq3A_75 : i32
      %convert_element_type3A_77 = arith.extui %eq3A_76 : i1 to i32
      %cond3A_78 = arith.constant 0 : i32
      %cond3A_79 = arith.cmpi ne, %convert_element_type3A_77, %cond3A_78 : i32
      scf.if %cond3A_79 {
        %dma_wait3A = arith.constant 0 : i32
        %dma_wait3A_80 = tpu.memref_slice %arg3[%dma_wait3A] : memref<327680xi32, #tpu.memory_space<hbm>> -> memref<4096xi32, #tpu.memory_space<hbm>>
        %dma_wait3A_81 = arith.constant 0 : i32
        %dma_wait3A_82 = tpu.memref_slice %arg3[%dma_wait3A_81] : memref<327680xi32, #tpu.memory_space<hbm>> -> memref<4096xi32, #tpu.memory_space<hbm>>
        tpu.wait_dma2 semaphore(%arg13 : memref<!tpu.dma_semaphore, #tpu.memory_space<semaphore_mem>>) src(%dma_wait3A_82 : memref<4096xi32, #tpu.memory_space<hbm>>) dst(%arg9 : memref<4096xi32, #tpu.memory_space<vmem>>)
        %dma_wait3A_83 = arith.constant 0 : i32
        %dma_wait3A_84 = tpu.memref_slice %arg3[%dma_wait3A_83] : memref<327680xi32, #tpu.memory_space<hbm>> -> memref<4096xi32, #tpu.memory_space<hbm>>
        %dma_wait3A_85 = arith.constant 0 : i32
        %dma_wait3A_86 = tpu.memref_slice %arg3[%dma_wait3A_85] : memref<327680xi32, #tpu.memory_space<hbm>> -> memref<4096xi32, #tpu.memory_space<hbm>>
        tpu.wait_dma2 semaphore(%arg13 : memref<!tpu.dma_semaphore, #tpu.memory_space<semaphore_mem>>) src(%dma_wait3A_86 : memref<4096xi32, #tpu.memory_space<hbm>>) dst(%arg9 : memref<4096xi32, #tpu.memory_space<vmem>>)
        %add3A_87 = arith.constant 1 : i32
        %add3A_88 = arith.addi %scan3A_46, %add3A_87 : i32
        %lt3A_89 = arith.constant 80 : i32
        %lt3A_90 = arith.cmpi slt, %add3A_88, %lt3A_89 : i32
        %convert_element_type3A_91 = arith.extui %lt3A_90 : i1 to i32
        %cond3A_92 = arith.constant 0 : i32
        %cond3A_93 = arith.cmpi ne, %convert_element_type3A_91, %cond3A_92 : i32
        scf.if %cond3A_93 {
          %add3A_100 = arith.constant 1 : i32
          %add3A_101 = arith.addi %scan3A_46, %add3A_100 : i32
          %mul3A_102 = arith.constant 4096 : i32
          %mul3A_103 = arith.muli %add3A_101, %mul3A_102 : i32
          %dma_start3A_104 = tpu.memref_slice %arg14[%mul3A_103] : memref<327680xi32, #tpu.memory_space<vmem_shared>> -> memref<4096xi32, #tpu.memory_space<vmem_shared>>
          %dma_start3A_105 = tpu.memref_slice %arg14[%mul3A_103] : memref<327680xi32, #tpu.memory_space<vmem_shared>> -> memref<4096xi32, #tpu.memory_space<vmem_shared>>
          tpu.enqueue_dma source(%dma_start3A_105 : memref<4096xi32, #tpu.memory_space<vmem_shared>>) target(%arg8 : memref<4096xi32, #tpu.memory_space<vmem>>) target_semaphore(%arg12 : memref<!tpu.dma_semaphore, #tpu.memory_space<semaphore_mem>>)
          %mul3A_106 = arith.constant 4096 : i32
          %mul3A_107 = arith.muli %add3A_101, %mul3A_106 : i32
          %dma_start3A_108 = tpu.memref_slice %arg15[%mul3A_107] : memref<327680xi32, #tpu.memory_space<vmem_shared>> -> memref<4096xi32, #tpu.memory_space<vmem_shared>>
          %dma_start3A_109 = tpu.memref_slice %arg15[%mul3A_107] : memref<327680xi32, #tpu.memory_space<vmem_shared>> -> memref<4096xi32, #tpu.memory_space<vmem_shared>>
          tpu.enqueue_dma source(%dma_start3A_109 : memref<4096xi32, #tpu.memory_space<vmem_shared>>) target(%arg10 : memref<4096xi32, #tpu.memory_space<vmem>>) target_semaphore(%arg12 : memref<!tpu.dma_semaphore, #tpu.memory_space<semaphore_mem>>)
        } else {
        }
        %scan3A_94 = arith.constant 0 : i32
        %scan3A_95 = arith.constant 0 : i32
        %scan3A_96 = arith.constant 64 : i32
        %scan3A_97 = arith.addi %scan3A_95, %scan3A_96 : i32
        %scan3A_98 = arith.constant 1 : i32
        scf.for %scan3A_100 = %scan3A_95 to %scan3A_97 step %scan3A_98  : i32 {
          %mul3A_101 = arith.constant 4 : i32
          %mul3A_102 = arith.muli %scan3A_100, %mul3A_101 : i32
          %add3A_103 = arith.constant 0 : i32
          %add3A_104 = arith.addi %mul3A_102, %add3A_103 : i32
          %mul3A_105 = arith.constant 16 : i32
          %mul3A_106 = arith.muli %add3A_104, %mul3A_105 : i32
          %get3A = arith.index_cast %mul3A_106 : i32 to index
          %get3A_107 = tpu.vector_load %arg9[%get3A] {strides = array<i32>} : memref<4096xi32, #tpu.memory_space<vmem>>, vector<16xi32>,
          %mul3A_108 = arith.constant 4 : i32
          %mul3A_109 = arith.muli %scan3A_100, %mul3A_108 : i32
          %add3A_110 = arith.constant 0 : i32
          %add3A_111 = arith.addi %mul3A_109, %add3A_110 : i32
          %mul3A_112 = arith.constant 16 : i32
          %mul3A_113 = arith.muli %add3A_111, %mul3A_112 : i32
          %get3A_114 = arith.index_cast %mul3A_113 : i32 to index
          %get3A_115 = tpu.vector_load %arg11[%get3A_114] {strides = array<i32>} : memref<4096xi32, #tpu.memory_space<vmem>>, vector<16xi32>,
          %add3A_116 = arith.addi %get3A_107, %broadcast_in_dim3A_37 : vector<16xi32>
          %gather3A = tpu.vector_load_idx %arg6[%add3A_116] : memref<20480xf32, #tpu.memory_space<vmem>>[vector<16xi32>], vector<16xf32>,
          %add3A_117 = arith.addi %get3A_107, %broadcast_in_dim3A_39 : vector<16xi32>
          %gather3A_118 = tpu.vector_load_idx %arg6[%add3A_117] : memref<20480xf32, #tpu.memory_space<vmem>>[vector<16xi32>], vector<16xf32>,
          %mul3A_119 = arith.constant 4 : i32
          %mul3A_120 = arith.muli %scan3A_100, %mul3A_119 : i32
          %add3A_121 = arith.constant 1 : i32
          %add3A_122 = arith.addi %mul3A_120, %add3A_121 : i32
          %mul3A_123 = arith.constant 16 : i32
          %mul3A_124 = arith.muli %add3A_122, %mul3A_123 : i32
          %get3A_125 = arith.index_cast %mul3A_124 : i32 to index
          %get3A_126 = tpu.vector_load %arg9[%get3A_125] {strides = array<i32>} : memref<4096xi32, #tpu.memory_space<vmem>>, vector<16xi32>,
          %mul3A_127 = arith.constant 4 : i32
          %mul3A_128 = arith.muli %scan3A_100, %mul3A_127 : i32
          %add3A_129 = arith.constant 1 : i32
          %add3A_130 = arith.addi %mul3A_128, %add3A_129 : i32
          %mul3A_131 = arith.constant 16 : i32
          %mul3A_132 = arith.muli %add3A_130, %mul3A_131 : i32
          %get3A_133 = arith.index_cast %mul3A_132 : i32 to index
          %get3A_134 = tpu.vector_load %arg11[%get3A_133] {strides = array<i32>} : memref<4096xi32, #tpu.memory_space<vmem>>, vector<16xi32>,
          %add3A_135 = arith.addi %get3A_126, %broadcast_in_dim3A_37 : vector<16xi32>
          %gather3A_136 = tpu.vector_load_idx %arg6[%add3A_135] : memref<20480xf32, #tpu.memory_space<vmem>>[vector<16xi32>], vector<16xf32>,
          %add3A_137 = arith.addi %get3A_126, %broadcast_in_dim3A_39 : vector<16xi32>
          %gather3A_138 = tpu.vector_load_idx %arg6[%add3A_137] : memref<20480xf32, #tpu.memory_space<vmem>>[vector<16xi32>], vector<16xf32>,
          %mul3A_139 = arith.constant 4 : i32
          %mul3A_140 = arith.muli %scan3A_100, %mul3A_139 : i32
          %add3A_141 = arith.constant 2 : i32
          %add3A_142 = arith.addi %mul3A_140, %add3A_141 : i32
          %mul3A_143 = arith.constant 16 : i32
          %mul3A_144 = arith.muli %add3A_142, %mul3A_143 : i32
          %get3A_145 = arith.index_cast %mul3A_144 : i32 to index
          %get3A_146 = tpu.vector_load %arg9[%get3A_145] {strides = array<i32>} : memref<4096xi32, #tpu.memory_space<vmem>>, vector<16xi32>,
          %mul3A_147 = arith.constant 4 : i32
          %mul3A_148 = arith.muli %scan3A_100, %mul3A_147 : i32
          %add3A_149 = arith.constant 2 : i32
          %add3A_150 = arith.addi %mul3A_148, %add3A_149 : i32
          %mul3A_151 = arith.constant 16 : i32
          %mul3A_152 = arith.muli %add3A_150, %mul3A_151 : i32
          %get3A_153 = arith.index_cast %mul3A_152 : i32 to index
          %get3A_154 = tpu.vector_load %arg11[%get3A_153] {strides = array<i32>} : memref<4096xi32, #tpu.memory_space<vmem>>, vector<16xi32>,
          %add3A_155 = arith.addi %get3A_146, %broadcast_in_dim3A_37 : vector<16xi32>
          %gather3A_156 = tpu.vector_load_idx %arg6[%add3A_155] : memref<20480xf32, #tpu.memory_space<vmem>>[vector<16xi32>], vector<16xf32>,
          %add3A_157 = arith.addi %get3A_146, %broadcast_in_dim3A_39 : vector<16xi32>
          %gather3A_158 = tpu.vector_load_idx %arg6[%add3A_157] : memref<20480xf32, #tpu.memory_space<vmem>>[vector<16xi32>], vector<16xf32>,
          %mul3A_159 = arith.constant 4 : i32
          %mul3A_160 = arith.muli %scan3A_100, %mul3A_159 : i32
          %add3A_161 = arith.constant 3 : i32
          %add3A_162 = arith.addi %mul3A_160, %add3A_161 : i32
          %mul3A_163 = arith.constant 16 : i32
          %mul3A_164 = arith.muli %add3A_162, %mul3A_163 : i32
          %get3A_165 = arith.index_cast %mul3A_164 : i32 to index
          %get3A_166 = tpu.vector_load %arg9[%get3A_165] {strides = array<i32>} : memref<4096xi32, #tpu.memory_space<vmem>>, vector<16xi32>,
          %mul3A_167 = arith.constant 4 : i32
          %mul3A_168 = arith.muli %scan3A_100, %mul3A_167 : i32
          %add3A_169 = arith.constant 3 : i32
          %add3A_170 = arith.addi %mul3A_168, %add3A_169 : i32
          %mul3A_171 = arith.constant 16 : i32
          %mul3A_172 = arith.muli %add3A_170, %mul3A_171 : i32
          %get3A_173 = arith.index_cast %mul3A_172 : i32 to index
          %get3A_174 = tpu.vector_load %arg11[%get3A_173] {strides = array<i32>} : memref<4096xi32, #tpu.memory_space<vmem>>, vector<16xi32>,
          %add3A_175 = arith.addi %get3A_166, %broadcast_in_dim3A_37 : vector<16xi32>
          %gather3A_176 = tpu.vector_load_idx %arg6[%add3A_175] : memref<20480xf32, #tpu.memory_space<vmem>>[vector<16xi32>], vector<16xf32>,
          %add3A_177 = arith.addi %get3A_166, %broadcast_in_dim3A_39 : vector<16xi32>
          %gather3A_178 = tpu.vector_load_idx %arg6[%add3A_177] : memref<20480xf32, #tpu.memory_space<vmem>>[vector<16xi32>], vector<16xf32>,
          %bitcast3A = vector.bitcast %gather3A : vector<16xf32> to vector<32xbf16>
          %unpack3A = tpu.unpack_subelements %bitcast3A, 0 {pack_format = #tpu.pack_format<interleaved>} : vector<32xbf16> -> vector<16xf32>
          %unpack3A_179 = tpu.unpack_subelements %bitcast3A, 1 {pack_format = #tpu.pack_format<interleaved>} : vector<32xbf16> -> vector<16xf32>
          %add3A_180 = arith.addi %get3A_115, %broadcast_in_dim3A_29 : vector<16xi32>
          tpu.vector_store_idx %arg7[%add3A_180], %unpack3A {add = true} : memref<40960xf32, #tpu.memory_space<vmem>>[vector<16xi32>], vector<16xf32>,
          %add3A_181 = arith.addi %get3A_115, %broadcast_in_dim3A_31 : vector<16xi32>
          tpu.vector_store_idx %arg7[%add3A_181], %unpack3A_179 {add = true} : memref<40960xf32, #tpu.memory_space<vmem>>[vector<16xi32>], vector<16xf32>,
          %bitcast3A_182 = vector.bitcast %gather3A_118 : vector<16xf32> to vector<32xbf16>
          %unpack3A_183 = tpu.unpack_subelements %bitcast3A_182, 0 {pack_format = #tpu.pack_format<interleaved>} : vector<32xbf16> -> vector<16xf32>
          %unpack3A_184 = tpu.unpack_subelements %bitcast3A_182, 1 {pack_format = #tpu.pack_format<interleaved>} : vector<32xbf16> -> vector<16xf32>
          %add3A_185 = arith.addi %get3A_115, %broadcast_in_dim3A_33 : vector<16xi32>
          tpu.vector_store_idx %arg7[%add3A_185], %unpack3A_183 {add = true} : memref<40960xf32, #tpu.memory_space<vmem>>[vector<16xi32>], vector<16xf32>,
          %add3A_186 = arith.addi %get3A_115, %broadcast_in_dim3A_35 : vector<16xi32>
          tpu.vector_store_idx %arg7[%add3A_186], %unpack3A_184 {add = true} : memref<40960xf32, #tpu.memory_space<vmem>>[vector<16xi32>], vector<16xf32>,
          %bitcast3A_187 = vector.bitcast %gather3A_136 : vector<16xf32> to vector<32xbf16>
          %unpack3A_188 = tpu.unpack_subelements %bitcast3A_187, 0 {pack_format = #tpu.pack_format<interleaved>} : vector<32xbf16> -> vector<16xf32>
          %unpack3A_189 = tpu.unpack_subelements %bitcast3A_187, 1 {pack_format = #tpu.pack_format<interleaved>} : vector<32xbf16> -> vector<16xf32>
          %add3A_190 = arith.addi %get3A_134, %broadcast_in_dim3A_29 : vector<16xi32>
          tpu.vector_store_idx %arg7[%add3A_190], %unpack3A_188 {add = true} : memref<40960xf32, #tpu.memory_space<vmem>>[vector<16xi32>], vector<16xf32>,
          %add3A_191 = arith.addi %get3A_134, %broadcast_in_dim3A_31 : vector<16xi32>
          tpu.vector_store_idx %arg7[%add3A_191], %unpack3A_189 {add = true} : memref<40960xf32, #tpu.memory_space<vmem>>[vector<16xi32>], vector<16xf32>,
          %bitcast3A_192 = vector.bitcast %gather3A_138 : vector<16xf32> to vector<32xbf16>
          %unpack3A_193 = tpu.unpack_subelements %bitcast3A_192, 0 {pack_format = #tpu.pack_format<interleaved>} : vector<32xbf16> -> vector<16xf32>
          %unpack3A_194 = tpu.unpack_subelements %bitcast3A_192, 1 {pack_format = #tpu.pack_format<interleaved>} : vector<32xbf16> -> vector<16xf32>
          %add3A_195 = arith.addi %get3A_134, %broadcast_in_dim3A_33 : vector<16xi32>
          tpu.vector_store_idx %arg7[%add3A_195], %unpack3A_193 {add = true} : memref<40960xf32, #tpu.memory_space<vmem>>[vector<16xi32>], vector<16xf32>,
          %add3A_196 = arith.addi %get3A_134, %broadcast_in_dim3A_35 : vector<16xi32>
          tpu.vector_store_idx %arg7[%add3A_196], %unpack3A_194 {add = true} : memref<40960xf32, #tpu.memory_space<vmem>>[vector<16xi32>], vector<16xf32>,
          %bitcast3A_197 = vector.bitcast %gather3A_156 : vector<16xf32> to vector<32xbf16>
          %unpack3A_198 = tpu.unpack_subelements %bitcast3A_197, 0 {pack_format = #tpu.pack_format<interleaved>} : vector<32xbf16> -> vector<16xf32>
          %unpack3A_199 = tpu.unpack_subelements %bitcast3A_197, 1 {pack_format = #tpu.pack_format<interleaved>} : vector<32xbf16> -> vector<16xf32>
          %add3A_200 = arith.addi %get3A_154, %broadcast_in_dim3A_29 : vector<16xi32>
          tpu.vector_store_idx %arg7[%add3A_200], %unpack3A_198 {add = true} : memref<40960xf32, #tpu.memory_space<vmem>>[vector<16xi32>], vector<16xf32>,
          %add3A_201 = arith.addi %get3A_154, %broadcast_in_dim3A_31 : vector<16xi32>
          tpu.vector_store_idx %arg7[%add3A_201], %unpack3A_199 {add = true} : memref<40960xf32, #tpu.memory_space<vmem>>[vector<16xi32>], vector<16xf32>,
          %bitcast3A_202 = vector.bitcast %gather3A_158 : vector<16xf32> to vector<32xbf16>
          %unpack3A_203 = tpu.unpack_subelements %bitcast3A_202, 0 {pack_format = #tpu.pack_format<interleaved>} : vector<32xbf16> -> vector<16xf32>
          %unpack3A_204 = tpu.unpack_subelements %bitcast3A_202, 1 {pack_format = #tpu.pack_format<interleaved>} : vector<32xbf16> -> vector<16xf32>
          %add3A_205 = arith.addi %get3A_154, %broadcast_in_dim3A_33 : vector<16xi32>
          tpu.vector_store_idx %arg7[%add3A_205], %unpack3A_203 {add = true} : memref<40960xf32, #tpu.memory_space<vmem>>[vector<16xi32>], vector<16xf32>,
          %add3A_206 = arith.addi %get3A_154, %broadcast_in_dim3A_35 : vector<16xi32>
          tpu.vector_store_idx %arg7[%add3A_206], %unpack3A_204 {add = true} : memref<40960xf32, #tpu.memory_space<vmem>>[vector<16xi32>], vector<16xf32>,
          %bitcast3A_207 = vector.bitcast %gather3A_176 : vector<16xf32> to vector<32xbf16>
          %unpack3A_208 = tpu.unpack_subelements %bitcast3A_207, 0 {pack_format = #tpu.pack_format<interleaved>} : vector<32xbf16> -> vector<16xf32>
          %unpack3A_209 = tpu.unpack_subelements %bitcast3A_207, 1 {pack_format = #tpu.pack_format<interleaved>} : vector<32xbf16> -> vector<16xf32>
          %add3A_210 = arith.addi %get3A_174, %broadcast_in_dim3A_29 : vector<16xi32>
          tpu.vector_store_idx %arg7[%add3A_210], %unpack3A_208 {add = true} : memref<40960xf32, #tpu.memory_space<vmem>>[vector<16xi32>], vector<16xf32>,
          %add3A_211 = arith.addi %get3A_174, %broadcast_in_dim3A_31 : vector<16xi32>
          tpu.vector_store_idx %arg7[%add3A_211], %unpack3A_209 {add = true} : memref<40960xf32, #tpu.memory_space<vmem>>[vector<16xi32>], vector<16xf32>,
          %bitcast3A_212 = vector.bitcast %gather3A_178 : vector<16xf32> to vector<32xbf16>
          %unpack3A_213 = tpu.unpack_subelements %bitcast3A_212, 0 {pack_format = #tpu.pack_format<interleaved>} : vector<32xbf16> -> vector<16xf32>
          %unpack3A_214 = tpu.unpack_subelements %bitcast3A_212, 1 {pack_format = #tpu.pack_format<interleaved>} : vector<32xbf16> -> vector<16xf32>
          %add3A_215 = arith.addi %get3A_174, %broadcast_in_dim3A_33 : vector<16xi32>
          tpu.vector_store_idx %arg7[%add3A_215], %unpack3A_213 {add = true} : memref<40960xf32, #tpu.memory_space<vmem>>[vector<16xi32>], vector<16xf32>,
          %add3A_216 = arith.addi %get3A_174, %broadcast_in_dim3A_35 : vector<16xi32>
          tpu.vector_store_idx %arg7[%add3A_216], %unpack3A_214 {add = true} : memref<40960xf32, #tpu.memory_space<vmem>>[vector<16xi32>], vector<16xf32>,
        }
        %scan3A_99 = arith.constant 64 : i32
      } else {
      }
    }
    %scan3A_45 = arith.constant 80 : i32
    "tpu.region"() ({
      %run_scoped3A = tpu.sem_alloc : memref<!tpu.dma_semaphore, #tpu.memory_space<semaphore_mem>>
      %dma_start3A_46 = tpu.memref_slice %arg5[%mul3A_4] : memref<1310720xf32, #tpu.memory_space<hbm>> -> memref<40960xf32, #tpu.memory_space<hbm>>
      %dma_start3A_47 = tpu.memref_slice %arg5[%mul3A_4] : memref<1310720xf32, #tpu.memory_space<hbm>> -> memref<40960xf32, #tpu.memory_space<hbm>>
      tpu.enqueue_dma source(%arg7 : memref<40960xf32, #tpu.memory_space<vmem>>) target(%dma_start3A_47 : memref<40960xf32, #tpu.memory_space<hbm>>) target_semaphore(%run_scoped3A : memref<!tpu.dma_semaphore, #tpu.memory_space<semaphore_mem>>)
      %dma_wait3A = tpu.memref_slice %arg5[%mul3A_4] : memref<1310720xf32, #tpu.memory_space<hbm>> -> memref<40960xf32, #tpu.memory_space<hbm>>
      %dma_wait3A_48 = tpu.memref_slice %arg5[%mul3A_4] : memref<1310720xf32, #tpu.memory_space<hbm>> -> memref<40960xf32, #tpu.memory_space<hbm>>
      tpu.wait_dma2 semaphore(%run_scoped3A : memref<!tpu.dma_semaphore, #tpu.memory_space<semaphore_mem>>) src(%arg7 : memref<40960xf32, #tpu.memory_space<vmem>>) dst(%dma_wait3A_48 : memref<40960xf32, #tpu.memory_space<hbm>>)
      tpu.yield
    }) : () -> ()
    return
  }
}

module attributes {stable_mosaic.version = 14 : i64} {
  func.func @_stage1_body(%arg0: memref<8x10240xf32, #tpu.memory_space<vmem>>, %arg1: memref<128x10240xf32, #tpu.memory_space<vmem>>, %arg2: memref<128x128xf32, #tpu.memory_space<vmem>>, %arg3: memref<8x10240xf32, #tpu.memory_space<vmem>>, %arg4: memref<128x10240xf32, #tpu.memory_space<vmem>>) attributes {dimension_semantics = [], scalar_prefetch = 0 : i64, scratch_operands = 0 : i64, tpu.core_type = #tpu.core_type<tc>} {
    %get3A = arith.constant 0 : index
    %get3A_0 = arith.constant 0 : index
    %get3A_1 = vector.load %arg0[%get3A, %get3A_0] : memref<8x10240xf32, #tpu.memory_space<vmem>>, vector<1x10240xf32>
    %get3A_2 = arith.constant 1 : index
    %get3A_3 = arith.constant 0 : index
    %get3A_4 = vector.load %arg0[%get3A_2, %get3A_3] : memref<8x10240xf32, #tpu.memory_space<vmem>>, vector<1x10240xf32>
    %add3A = arith.addf %get3A_1, %get3A_4 : vector<1x10240xf32>
    %add3A_5 = arith.constant 1.000000e+00 : f32
    %add3A_6 = vector.broadcast %add3A_5 : f32 to vector<1x10240xf32>
    %add3A_7 = arith.addf %add3A, %add3A_6 : vector<1x10240xf32>
    %rsqrt3A = math.rsqrt %add3A_7 : vector<1x10240xf32>
    %broadcast_in_dim3A = vector.shape_cast %rsqrt3A : vector<1x10240xf32> to vector<1x10240xf32>
    %broadcast_in_dim3A_8 = vector.broadcast %broadcast_in_dim3A : vector<1x10240xf32> to vector<8x10240xf32>
    %swap3A = arith.constant 0 : index
    %swap3A_9 = arith.constant 0 : index
    %swap3A_10 = vector.load %arg3[%swap3A, %swap3A_9] : memref<8x10240xf32, #tpu.memory_space<vmem>>, vector<8x10240xf32>
    tpu.vector_store %arg3[%swap3A, %swap3A_9], %broadcast_in_dim3A_8 {strides = array<i32>} : memref<8x10240xf32, #tpu.memory_space<vmem>>, vector<8x10240xf32>,
    %get3A_11 = arith.constant 0 : index
    %get3A_12 = arith.constant 0 : index
    %get3A_13 = vector.load %arg2[%get3A_11, %get3A_12] : memref<128x128xf32, #tpu.memory_space<vmem>>, vector<128x128xf32>
    %get3A_14 = arith.constant 0 : index
    %get3A_15 = arith.constant 0 : index
    %get3A_16 = vector.load %arg1[%get3A_14, %get3A_15] : memref<128x10240xf32, #tpu.memory_space<vmem>>, vector<128x10240xf32>
    %dot_general3A = arith.constant dense<0.000000e+00> : vector<128x10240xf32>
    %dot_general3A_17 = tpu.matmul %get3A_13, %get3A_16, %dot_general3A {dimension_numbers = #tpu.dot_dimension_numbers<[1], [0], [0], [1], [0, 0, 1, 1], [], []>, transpose_lhs_hint = false} : vector<128x128xf32>, vector<128x10240xf32>, vector<128x10240xf32> -> vector<128x10240xf32>
    %mul3A = vector.broadcast %rsqrt3A : vector<1x10240xf32> to vector<128x10240xf32>
    %mul3A_18 = arith.mulf %dot_general3A_17, %mul3A : vector<128x10240xf32>
    %swap3A_19 = arith.constant 0 : index
    %swap3A_20 = arith.constant 0 : index
    %swap3A_21 = vector.load %arg4[%swap3A_19, %swap3A_20] : memref<128x10240xf32, #tpu.memory_space<vmem>>, vector<128x10240xf32>
    tpu.vector_store %arg4[%swap3A_19, %swap3A_20], %mul3A_18 {strides = array<i32>} : memref<128x10240xf32, #tpu.memory_space<vmem>>, vector<128x10240xf32>,
    return
  }
}

module attributes {stable_mosaic.version = 14 : i64} {
  func.func @_stage2_body(%arg0: memref<128x10240xf32, #tpu.memory_space<vmem>>, %arg1: memref<128x10240xf32, #tpu.memory_space<vmem>>, %arg2: memref<8x10240xf32, #tpu.memory_space<vmem>>, %arg3: memref<128x1xf32, #tpu.memory_space<vmem>>, %arg4: memref<128x128xf32, #tpu.memory_space<vmem>>, %arg5: memref<128x10240xf32, #tpu.memory_space<vmem>>) attributes {dimension_semantics = [], scalar_prefetch = 0 : i64, scratch_operands = 0 : i64, tpu.core_type = #tpu.core_type<tc>} {
    %get3A = arith.constant 0 : index
    %get3A_0 = arith.constant 0 : index
    %get3A_1 = vector.load %arg2[%get3A, %get3A_0] : memref<8x10240xf32, #tpu.memory_space<vmem>>, vector<1x10240xf32>
    %get3A_2 = arith.constant 0 : index
    %get3A_3 = arith.constant 0 : index
    %get3A_4 = vector.load %arg0[%get3A_2, %get3A_3] : memref<128x10240xf32, #tpu.memory_space<vmem>>, vector<128x10240xf32>
    %get3A_5 = arith.constant 0 : index
    %get3A_6 = arith.constant 0 : index
    %get3A_7 = vector.load %arg1[%get3A_5, %get3A_6] : memref<128x10240xf32, #tpu.memory_space<vmem>>, vector<128x10240xf32>
    %add3A = arith.addf %get3A_4, %get3A_7 : vector<128x10240xf32>
    %mul3A = vector.broadcast %get3A_1 : vector<1x10240xf32> to vector<128x10240xf32>
    %mul3A_8 = arith.mulf %add3A, %mul3A : vector<128x10240xf32>
    %get3A_9 = arith.constant 0 : index
    %get3A_10 = arith.constant 0 : index
    %get3A_11 = vector.load %arg3[%get3A_9, %get3A_10] : memref<128x1xf32, #tpu.memory_space<vmem>>, vector<128x1xf32>
    %add3A_12 = vector.broadcast %get3A_11 : vector<128x1xf32> to vector<128x10240xf32>
    %add3A_13 = arith.addf %mul3A_8, %add3A_12 : vector<128x10240xf32>
    %max3A = arith.constant 0.000000e+00 : f32
    %max3A_14 = vector.broadcast %max3A : f32 to vector<128x10240xf32>
    %max3A_15 = arith.maximumf %add3A_13, %max3A_14 : vector<128x10240xf32>
    %get3A_16 = arith.constant 0 : index
    %get3A_17 = arith.constant 0 : index
    %get3A_18 = vector.load %arg4[%get3A_16, %get3A_17] : memref<128x128xf32, #tpu.memory_space<vmem>>, vector<128x128xf32>
    %dot_general3A = arith.constant dense<0.000000e+00> : vector<128x10240xf32>
    %dot_general3A_19 = tpu.matmul %get3A_18, %max3A_15, %dot_general3A {dimension_numbers = #tpu.dot_dimension_numbers<[1], [0], [0], [1], [0, 0, 1, 1], [], []>, transpose_lhs_hint = false} : vector<128x128xf32>, vector<128x10240xf32>, vector<128x10240xf32> -> vector<128x10240xf32>
    %mul3A_20 = vector.broadcast %get3A_1 : vector<1x10240xf32> to vector<128x10240xf32>
    %mul3A_21 = arith.mulf %dot_general3A_19, %mul3A_20 : vector<128x10240xf32>
    %swap3A = arith.constant 0 : index
    %swap3A_22 = arith.constant 0 : index
    %swap3A_23 = vector.load %arg5[%swap3A, %swap3A_22] : memref<128x10240xf32, #tpu.memory_space<vmem>>, vector<128x10240xf32>
    tpu.vector_store %arg5[%swap3A, %swap3A_22], %mul3A_21 {strides = array<i32>} : memref<128x10240xf32, #tpu.memory_space<vmem>>, vector<128x10240xf32>,
    return
  }
}

module attributes {stable_mosaic.version = 14 : i64} {
  func.func @_stage3_body(%arg0: memref<128x10240xf32, #tpu.memory_space<vmem>>, %arg1: memref<128x10240xf32, #tpu.memory_space<vmem>>, %arg2: memref<8x10240xf32, #tpu.memory_space<vmem>>, %arg3: memref<128x1xf32, #tpu.memory_space<vmem>>, %arg4: memref<8x10240xi32, #tpu.memory_space<vmem>>, %arg5: memref<128x10xf32, #tpu.memory_space<vmem>>, %arg6: memref<1x10xf32, #tpu.memory_space<vmem>>, %arg7: memref<64x10xf32, #tpu.memory_space<vmem>>) attributes {dimension_semantics = [], scalar_prefetch = 0 : i64, scratch_operands = 0 : i64, tpu.core_type = #tpu.core_type<tc>} {
    %get3A = arith.constant 0 : index
    %get3A_0 = arith.constant 0 : index
    %get3A_1 = vector.load %arg0[%get3A, %get3A_0] : memref<128x10240xf32, #tpu.memory_space<vmem>>, vector<128x10240xf32>
    %get3A_2 = arith.constant 0 : index
    %get3A_3 = arith.constant 0 : index
    %get3A_4 = vector.load %arg1[%get3A_2, %get3A_3] : memref<128x10240xf32, #tpu.memory_space<vmem>>, vector<128x10240xf32>
    %add3A = arith.addf %get3A_1, %get3A_4 : vector<128x10240xf32>
    %get3A_5 = arith.constant 0 : index
    %get3A_6 = arith.constant 0 : index
    %get3A_7 = vector.load %arg2[%get3A_5, %get3A_6] : memref<8x10240xf32, #tpu.memory_space<vmem>>, vector<1x10240xf32>
    %mul3A = vector.broadcast %get3A_7 : vector<1x10240xf32> to vector<128x10240xf32>
    %mul3A_8 = arith.mulf %add3A, %mul3A : vector<128x10240xf32>
    %get3A_9 = arith.constant 0 : index
    %get3A_10 = arith.constant 0 : index
    %get3A_11 = vector.load %arg3[%get3A_9, %get3A_10] : memref<128x1xf32, #tpu.memory_space<vmem>>, vector<128x1xf32>
    %add3A_12 = vector.broadcast %get3A_11 : vector<128x1xf32> to vector<128x10240xf32>
    %add3A_13 = arith.addf %mul3A_8, %add3A_12 : vector<128x10240xf32>
    %get3A_14 = arith.constant 0 : index
    %get3A_15 = arith.constant 0 : index
    %get3A_16 = vector.load %arg4[%get3A_14, %get3A_15] : memref<8x10240xi32, #tpu.memory_space<vmem>>, vector<1x10240xi32>
    %iota3A = tpu.iota {dimensions = array<i32: 0>} : vector<64x10240xi32>
    %eq3A = vector.broadcast %get3A_16 : vector<1x10240xi32> to vector<64x10240xi32>
    %eq3A_17 = arith.cmpi eq, %iota3A, %eq3A : vector<64x10240xi32>
    %convert_element_type3A = arith.extui %eq3A_17 : vector<64x10240xi1> to vector<64x10240xi32>
    %convert_element_type3A_18 = arith.sitofp %convert_element_type3A : vector<64x10240xi32> to vector<64x10240xf32>
    %dot_general3A = arith.constant dense<0.000000e+00> : vector<64x128xf32>
    %dot_general3A_19 = tpu.matmul %convert_element_type3A_18, %add3A_13, %dot_general3A {dimension_numbers = #tpu.dot_dimension_numbers<[1], [1], [0], [0], [0, 0, 1, 0], [], []>, transpose_lhs_hint = false} : vector<64x10240xf32>, vector<128x10240xf32>, vector<64x128xf32> -> vector<64x128xf32>
    %reduce_sum3A = arith.constant dense<0.000000e+00> : vector<64xf32>
    %reduce_sum3A_20 = vector.multi_reduction <add>, %convert_element_type3A_18, %reduce_sum3A [1] : vector<64x10240xf32> to vector<64xf32>
    %broadcast_in_dim3A = vector.shape_cast %reduce_sum3A_20 : vector<64xf32> to vector<64x1xf32>
    %max3A = arith.constant 1.000000e+00 : f32
    %max3A_21 = vector.broadcast %max3A : f32 to vector<64x1xf32>
    %max3A_22 = arith.maximumf %broadcast_in_dim3A, %max3A_21 : vector<64x1xf32>
    %div3A = vector.broadcast %max3A_22 : vector<64x1xf32> to vector<64x128xf32>
    %div3A_23 = arith.divf %dot_general3A_19, %div3A : vector<64x128xf32>
    %get3A_24 = arith.constant 0 : index
    %get3A_25 = arith.constant 0 : index
    %get3A_26 = vector.load %arg5[%get3A_24, %get3A_25] : memref<128x10xf32, #tpu.memory_space<vmem>>, vector<128x10xf32>
    %dot_general3A_27 = arith.constant dense<0.000000e+00> : vector<64x10xf32>
    %dot_general3A_28 = tpu.matmul %div3A_23, %get3A_26, %dot_general3A_27 {dimension_numbers = #tpu.dot_dimension_numbers<[1], [0], [0], [1], [0, 0, 1, 1], [], []>, transpose_lhs_hint = false} : vector<64x128xf32>, vector<128x10xf32>, vector<64x10xf32> -> vector<64x10xf32>
    %get3A_29 = arith.constant 0 : index
    %get3A_30 = arith.constant 0 : index
    %get3A_31 = vector.load %arg6[%get3A_29, %get3A_30] : memref<1x10xf32, #tpu.memory_space<vmem>>, vector<1x10xf32>
    %add3A_32 = vector.broadcast %get3A_31 : vector<1x10xf32> to vector<64x10xf32>
    %add3A_33 = arith.addf %dot_general3A_28, %add3A_32 : vector<64x10xf32>
    %swap3A = arith.constant 0 : index
    %swap3A_34 = arith.constant 0 : index
    %swap3A_35 = vector.load %arg7[%swap3A, %swap3A_34] : memref<64x10xf32, #tpu.memory_space<vmem>>, vector<64x10xf32>
    tpu.vector_store %arg7[%swap3A, %swap3A_34], %add3A_33 {strides = array<i32>} : memref<64x10xf32, #tpu.memory_space<vmem>>, vector<64x10xf32>,
    return
  }
}

</mosaic_0001>

<sc_bundles>
// kernel: kernel.11.cloned.1.call-start
scs
__scs_entry_jumppad:
0x0: {  	(pc) =	sbr.rel $0x88, $3  }
0x1: {  	(tag) =	ssettag $0x0;
	lr =	simm.s32 $0x1  }
0x2: {  	[smem:$0x3F98] =	sst lr;
	_ =	strace $0xD0000000  }
0x3: {  	_ = 	snop  }
0x4: {  	_ = 	snop  }
0x5: {  	_ = 	snop  }
0x6: {  	_ = 	snop  }
0x7: {  	_ = 	snop  }
__scs_overlays_trampoline_lowered:
0x8: {  	[smem:$0x3FA7] =	sst s0  }
0x9: {  	[smem:$0x3FA8] =	sst s1  }
0xa: {  	[smem:$0x3FA9] =	sst s2  }
0xb: {  	[smem:$0x3FAA] =	sst s3  }
0xc: {  	[smem:$0x3FAB] =	sst s4  }
0xd: {  	[smem:$0x3FAC] =	sst s5  }
0xe: {  	[smem:$0x3FAD] =	sst s6  }
0xf: {  	[smem:$0x3FAE] =	sst s7  }
0x10: {  	[smem:$0x3FAF] =	sst s8  }
0x11: {  	[smem:$0x3FB0] =	sst s9;
	s0 =	simm.s32 @!p0 $0x0  }
0x12: {  	s1 =	sld [smem:$0x3F96];
	s0 =	simm.s32 @p0 $0x1  }
0x13: {  	[smem:$0x3FB1] =	sst s0;
	s0 =	simm.s32 @!p1 $0x0  }
0x14: {  	s2 =	sld [smem:$0x3F95];
	s0 =	simm.s32 @p1 $0x1  }
0x15: {  	[smem:$0x3FB2] =	sst s0;
	s0 =	simm.s32 @!p2 $0x0  }
0x16: {  	s3 =	sld [smem:$0x3FDB];
	s0 =	simm.s32 @p2 $0x1  }
0x17: {  	s4 =	simm.s32 $0x1BF5;
	[smem:$0x3FB4] =	sst s0  }
0x18: {  	s0 =	sld [smem:$0x3F97];
	_ =	swait.ge [sflag:s4], $0x0  }
0x19: {  	s7 =	sld [smem:$0x3F98]  }
0x1a: {  	s8 =	sadd.s32 $0xFFFFE003, lr  }
0x1b: {  	s9 =	sadd.s32 $0xFFFFFEF7, lr;
	s5 =	simm.s32 $0xFFFFFFFF;
	p2 =	slt.u32 s8, $0xFFFFF086  }
0x1c: {  	p1 =	slt.u32 s9, $0xF7A;
	s5 =	simm.s32 @!p2 $0x0  }
0x1d: {  	s5 =	simm.s32 @p1 $0x1;
	p0 =	seq.s32 s7, s2  }
0x1e: {  	s7 =	smul.u32 @!p0 $0xF7A, s2;
	p2 =	seq.s32 @!p0 s5, $0x0  }
0x1f: {  	s9 =	smul.u32 $0xF7A, s1;
	s8 =	simm.s32 @!p0 $0x1BF5;
	p2 =	por !p2, p0  }
0x20: {  	[sflag:s8] =	ssyncset.s32 @!p0 $0xFFFFF086;
	s6 =	sadd.s32 @!p0 s3, s7;
	s7 =	simm.s32 @!p0 $0x108  }
0x21: {  	s3 =	sadd.s32 s3, s9;
	s6 =	sadd.s32 @!p0 $0x88, s6;
	s7 =	simm.s32 @p2 $0x1082  }
0x22: {  	[simem:s7], [sflag:s8] =	dma.local @!p0 [hbm:s6], $0xF7A  }
0x23: {  	s9 =	sor.u32 $0xD0000000, s2;
	s6 =	simm.s32 $0x108;
	_ =	swait.ge @!p0 [sflag:s8], $0x0  }
0x24: {  	s3 =	sadd.s32 $0x88, s3;
	s6 =	simm.s32 @!p1 $0x1082;
	[sflag:s4] =	ssyncset.s32 $0xFFFFF086  }
0x25: {  	[simem:s6], [sflag:s4] =	dma.local [hbm:s3], $0xF7A  }
0x26: {  	[smem:$0x3F98] =	sst s1;
	(tag) =	ssettag s2;
	_ =	strace s9  }
0x27: {  	s1 =	sld [smem:$0x3FA8]  }
0x28: {  	s2 =	sld [smem:$0x3FA9]  }
0x29: {  	s4 =	sld [smem:$0x3FAB]  }
0x2a: {  	p0 =	seq.s32 s5, $0x0;
	s5 =	sld [smem:$0x3FAC]  }
0x2b: {  	s6 =	sld [smem:$0x3FAD]  }
0x2c: {  	s7 =	sld [smem:$0x3FAE]  }
0x2d: {  	s3 =	simm.s32 $0x108;
	s8 =	sld [smem:$0x3FAF]  }
0x2e: {  	s3 =	simm.s32 @!p0 $0x1082;
	s9 =	sld [smem:$0x3FB0]  }
0x2f: {  	lr =	sadd.s32 s0, s3;
	s0 =	sld [smem:$0x3FA7]  }
0x30: {  	s3 =	sld [smem:$0x3FAA]  }
0x31: {  	[smem:$0x3FB3] =	sst s10  }
0x32: {  	s10 =	sld [smem:$0x3FB1];
	_ =	sdelay $0x3  }
0x33: {  	p0 =	seq.s32 s10, $0x1;
	s10 =	sld [smem:$0x3FB3];
	_ =	sdelay $0x3  }
0x34: {  	[smem:$0x3FB3] =	sst s10  }
0x35: {  	s10 =	sld [smem:$0x3FB2];
	_ =	sdelay $0x3  }
0x36: {  	p1 =	seq.s32 s10, $0x1;
	s10 =	sld [smem:$0x3FB3];
	_ =	sdelay $0x3  }
0x37: {  	[smem:$0x3FB3] =	sst s10  }
0x38: {  	s10 =	sld [smem:$0x3FB4]  }
0x39: {  	_ = 	snop;
	(pc) =	sbr.ind lr, $3  }
0x3a: {  	_ = 	snop  }
0x3b: {  	_ = 	snop  }
0x3c: {  	p2 =	seq.s32 s10, $0x1;
	s10 =	sld [smem:$0x3FB3]  }
0x3d: {  	_ =	shalt  }
0x3e: {  	_ =	shalt  }
0x3f: {  	_ =	shalt  }
0x40: {  	_ =	shalt  }
0x41: {  	_ =	shalt  }
0x42: {  	_ =	shalt  }
0x43: {  	_ =	shalt  }
0x44: {  	_ =	shalt  }
0x45: {  	_ =	shalt  }
0x46: {  	_ =	shalt  }
0x47: {  	_ =	shalt  }
0x48: {  	_ =	shalt  }
0x49: {  	_ =	shalt  }
0x4a: {  	_ =	shalt  }
0x4b: {  	_ =	shalt  }
0x4c: {  	_ =	shalt  }
0x4d: {  	_ =	shalt  }
0x4e: {  	_ =	shalt  }
0x4f: {  	_ =	shalt  }
0x50: {  	_ =	shalt  }
0x51: {  	_ =	shalt  }
0x52: {  	_ =	shalt  }
0x53: {  	_ =	shalt  }
0x54: {  	_ =	shalt  }
0x55: {  	_ =	shalt  }
0x56: {  	_ =	shalt  }
0x57: {  	_ =	shalt  }
0x58: {  	_ =	shalt  }
0x59: {  	_ =	shalt  }
0x5a: {  	_ =	shalt  }
0x5b: {  	_ =	shalt  }
0x5c: {  	_ =	shalt  }
0x5d: {  	_ =	shalt  }
0x5e: {  	_ =	shalt  }
0x5f: {  	_ =	shalt  }
0x60: {  	_ =	shalt  }
0x61: {  	_ =	shalt  }
0x62: {  	_ =	shalt  }
0x63: {  	_ =	shalt  }
0x64: {  	_ =	shalt  }
0x65: {  	_ =	shalt  }
0x66: {  	_ =	shalt  }
0x67: {  	_ =	shalt  }
0x68: {  	_ =	shalt  }
0x69: {  	_ =	shalt  }
0x6a: {  	_ =	shalt  }
0x6b: {  	_ =	shalt  }
0x6c: {  	_ =	shalt  }
0x6d: {  	_ =	shalt  }
0x6e: {  	_ =	shalt  }
0x6f: {  	_ =	shalt  }
0x70: {  	_ =	shalt  }
0x71: {  	_ =	shalt  }
0x72: {  	_ =	shalt  }
0x73: {  	_ =	shalt  }
0x74: {  	_ =	shalt  }
0x75: {  	_ =	shalt  }
0x76: {  	_ =	shalt  }
0x77: {  	_ =	shalt  }
0x78: {  	_ =	shalt  }
0x79: {  	_ =	shalt  }
0x7a: {  	_ =	shalt  }
0x7b: {  	_ =	shalt  }
0x7c: {  	_ =	shalt  }
0x7d: {  	_ =	shalt  }
0x7e: {  	_ =	shalt  }
0x7f: {  	_ =	shalt  }
0x80: {  	_ =	shalt  }
0x81: {  	_ =	shalt  }
0x82: {  	_ =	shalt  }
0x83: {  	_ =	shalt  }
0x84: {  	_ =	shalt  }
0x85: {  	_ =	shalt  }
0x86: {  	_ =	shalt  }
0x87: {  	_ =	shalt  }
.Lfunc_end0:
.L_simem_size_0:
called_computation.1_lowered:
.L_overlay_start_0:
0x88: {  	s2 =	sld [smem:$0x3FD9]  }
0x89: {  	s3 =	sld [smem:$0x3FFE];
	_ =	sdelay $0x1  }
0x8a: {  	s1 =	srdreg.scid  }
0x8b: {  	s0 =	sand.u32 $0x1, s1  }
0x8c: {  	s16 =	sshll.u32 s0, $0xA;
	s2 =	sadd.s32 s3, s2  }
0x8d: {  	s2 =	sadd.s32 s2, s16  }
0x8e: {  	[smem:$0x3FBF] =	sst s2  }
0x8f: {  	_ = 	snop  }
0x90: {  	(tm) =	ssettm $0x1  }
0x91: {  	s17 =	sld [smem:$0x3FFB];
	_ =	sdelay $0x3  }
0x92: {  	_ =	strace s17  }
0x93: {  	s2 =	sld [smem:$0x3FFC];
	_ =	sdelay $0x3  }
0x94: {  	_ =	strace s2  }
0x95: {  	s2 =	sld [smem:$0x3FFD];
	_ =	sdelay $0x3  }
0x96: {  	_ =	strace s2  }
0x97: {  	_ =	strace $0x8FFFFFFF  }
0x98: {  	s18 =	sld [smem:$0x3FDB];
	_ =	sdelay $0x1  }
0x99: {  	s19 =	simm.s32 $_scs_section_size  }
0x9a: {  	s4 =	simm.s32 $_size__tile_overlayer_lowered;
	s5 =	simm.s32 $_tile_overlayer_lowered  }
0x9b: {  	s22 =	simm.s32 $0x1BFF;
	s21 =	sshll.u32 s5, $0x1;
	s2 =	sadd.s32 s19, s18  }
0x9c: {  	s6 =	simm.s32 $0x0;
	s20 =	sshll.u32 s4, $0x1;
	s4 =	sadd.s32 s21, s2  }
0x9d: {  	[timem:s6], [sflag:s22] =	dma.local [hbm:s4], s20  }
0x9e: {  	_ =	swait.ge [sflag:s22], s20  }
0x9f: {  	s3 =	ssub.s32 $0x0, s20;
	[sflag:s22] =	ssyncset.done $0x0  }
0xa0: {  	[sflag:s22] =	ssyncadd.s32 s3;
	_ =	sdelay $0x1  }
0xa1: {  	s23 =	simm.s32 $0x1B8B  }
0xa2: {  	_ =	swait.ge [sflag:s23], $0x1  }
0xa3: {  	[sflag:s23] =	ssyncset.done $0x0  }
0xa4: {  	s25 =	simm.s32 $0x1B8E;
	s24 =	sld [smem:$0x3FFE];
	[sflag:s23] =	ssyncadd.s32 $0xFFFFFFFF  }
0xa5: {  	s26 =	simm.s32 $execute0_lowered;
	[smem:$0x3FD2] =	sst s25  }
0xa6: {  	s4 =	sshll.u32 s26, $0x1;
	_ =	strace $0x80000049;
	[dreg:$0x1] =	wrdreg $0xFFFFFFFF  }
0xa7: {  	s28 =	simm.s32 $_size_execute0_lowered;
	s2 =	sadd.s32 s2, s4;
	[dreg:$0x0] =	wrdreg $0x0  }
0xa8: {  	s4 =	sshll.u32 s28, $0x1;
	[dreg:$0x2] =	wrdreg s2  }
0xa9: {  	[dreg:$0x3] =	wrdreg s4  }
0xaa: {  	[dreg:$0x4] =	wrdreg $0xC0  }
0xab: {  	_ =	task [dreg:s6], $0x5FFFF  }
0xac: {  	[dreg:$0x1] =	wrdreg $0xFFFFFFFF  }
0xad: {  	[dreg:$0x0] =	wrdreg $0x60  }
0xae: {  	[dreg:$0x2] =	wrdreg s24  }
0xaf: {  	[dreg:$0x3] =	wrdreg $0x130000  }
0xb0: {  	[dreg:$0x4] =	wrdreg $0x180000  }
0xb1: {  	[dreg:$0x5] =	wrdreg $0x9  }
0xb2: {  	_ =	task.clear_ibuf [dreg:s6], $0x6FFFF;
	_ =	strace $0x90000049  }
0xb3: {  	s29 =	simm.s32 $0x9;
	_ =	strace $0x8000004B  }
0xb4: {  	_ =	swait.ge [sflag:s29], $0x1  }
0xb5: {  	[sflag:s29] =	ssyncadd.s32 $0xFFFFFFFF  }
0xb6: {  	_ =	strace $0x9000004B  }
0xb7: {  	_ =	sfence  }
0xb8: {  	s30 =	sld [smem:$0x0];
	_ =	sdelay $0x2  }
0xb9: {  	s31 =	sshll.u32 s1, $0xD;
	s1 =	sshrl.u32 s1, $0x2  }
0xba: {  	s3 =	sand.u32 $0x4000, s31;
	s1 =	sadd.s32 s1, s30  }
0xbb: {  	s0 =	sor.u32 s3, s0;
	s1 =	sshll.u32 s1, $0x11  }
0xbc: {  	s0 =	sor.u32 s1, s0  }
0xbd: {  	s0 =	sadd.s32 $0x8F2B, s0  }
0xbe: {  	[sflag:s0] =	ssyncadd.remote.s32 $0x1  }
0xbf: {  	_ =	sfence.sel $0xFFFF  }
0xc0: {  	[dreg:$0x0] =	wrdreg $0xFFFFFFFF;
	(pc) =	sbr.abs _section_cstart, $3  }
0xc1: {  	[dreg:$0x1] =	wrdreg $0xFFFFFFFF  }
0xc2: {  	_ =	task.clear_ibuf [dreg:s6], $0x2FFFF;
	_ =	strace $0x9FFFFFFF  }
0xc3: {  	(tm) =	ssettm $0x7FFFFFFF  }
tec
execute0_lowered:
.L_overlay_start_1:
0x0: {  	(tag) =	ssettag $0x1  }
0x1: {  	s5 =	rddreg [dreg:$0x0]  }
0x2: {  	s2 =	rddreg [dreg:$0x1]  }
0x3: {  	s0 =	srdreg.scid;
	s3 =	rddreg [dreg:$0x2]  }
0x4: {  	s4 =	simm.s32 $0x0;
	s15 =	simm.s32 $0x11000;
	s16 =	simm.s32 $0x2  }
0x5: {  	s17 =	simm.s32 $0x5000;
	s18 =	simm.s32 $0x1;
	s19 =	simm.s32 $0x10000  }
0x6: {  	s20 =	simm.s32 $0x12000;
	s21 =	simm.s32 $0x0;
	s6 =	sand.u32 $0x1, s0  }
0x7: {  	s0 =	stileid.u32;
	[smem:$0x7FF] =	sst s4;
	s1 =	sshll.u32 s6, $0x4  }
0x8: {  	s9 =	smul.u32 $0x5000, s0;
	s6 =	ssub.s32 $0x2, s6;
	s7 =	sor.u32 s0, s1  }
0x9: {  	s31 =	sshll.u32 s0, $0x6;
	s1 =	rddreg [dreg:$0x3];
	s8 =	smul.u32 $0xA00, s7  }
0xa: {  	_ =	strace $0x8000004A;
	s30 =	sshrl.u32 s6, $0x1;
	s7 =	smul.u32 $0x1400, s7  }
0xb: {  	s10 =	sshrl.u32 s9, $0x3;
	s12 =	ssub.s32 s6, s30;
	s13 =	sadd.s32 s9, s2  }
.Ltmp0:
0xc: {  	s6 =	sor.u32 $0x1C03, s31;
	s14 =	sadd.s32 s9, s3;
	(pc) =	sbr.rel .LBB2_1-.Ltmp0, $4  }
0xd: {  	s10 =	sadd.s32 s10, s5;
	s8 =	sadd.s32 s8, s5;
	s11 =	sadd.s32 s7, s5  }
0xe: {  	s5 =	sadd.s32 $0xAE00, s10;
	s7 =	sadd.s32 $0x400, s10;
	s10 =	smax.u32 s12, $0x1  }
0xf: {  	s12 =	simm.s32 $0x3;
	s8 =	sadd.s32 $0x14E00, s8;
	s9 =	sadd.s32 $0x28E00, s11  }
0x10: {  	v0 =	vimm.f32 $0.0e+00;
	s11 =	sshrl.u32 s13, $0x3;
	s13 =	sshrl.u32 s14, $0x3;
	s14 =	simm.s32 $0xF000  }
.LBB2_12:
0x11: {  	s21 =	sadd.s32 $0x1, s21  }
0x12: {  	p0 =	sne.s32 s21, s10  }
.Ltmp1:
0x13: {  	_ = 	snop;
	(pc) =	sbr.rel @!p0 .LBB2_13-.Ltmp1, $4  }
0x14: {  	[hbm4b:s9+s4] =	stream.linear.scatter [tilespmem:s17], [sflag:$0x3], $0xA000, $0x38;
	[tilespmem:$0x1D000] =	vst v63  }
0x15: {  	_ =	swait.ge [sflag:s12], $0xA000  }
0x16: {  	[sflag:s12] =	ssyncset.done $0x0  }
0x17: {  	[sflag:s12] =	ssyncadd.s32 $0xFFFF6000  }
.LBB2_1:
0x18: {  	[spmem:s11], [sflag:s6] =	dma.local [hbm:s5], $0xA00  }
0x19: {  	_ =	swait.ge [sflag:s12], $0xA00  }
0x1a: {  	[sflag:s12] =	ssyncset.done $0x0  }
0x1b: {  	[sflag:s12] =	ssyncadd.s32 $0xFFFFF600  }
0x1c: {  	[spmem:s13], [sflag:s6] =	dma.local [hbm:s7], $0xA00  }
0x1d: {  	_ =	swait.ge [sflag:s12], $0xA00  }
0x1e: {  	[sflag:s12] =	ssyncset.done $0x0  }
0x1f: {  	[sflag:s12] =	ssyncadd.s32 $0xFFFFF600  }
0x20: {  	[tilespmem:s4], [sflag:$0x3] =	stream.linear.gather [hbm4b:s8+s4], $0x5000, $0x38;
	[tilespmem:$0x1D000] =	vst v63  }
0x21: {  	_ =	swait.ge [sflag:s12], $0x5000  }
0x22: {  	[sflag:s12] =	ssyncset.done $0x0  }
0x23: {  	s22 =	simm.s32 $0x40;
	s23 =	simm.s32 $0x0;
	[sflag:s12] =	ssyncadd.s32 $0xFFFFB000  }
.LBB2_2:
0x24: {  	p0 =	sne.s32 s22, $0x27FC0;
	[tilespmem:s23+$0x5000] =	vst v0;
	s23 =	smov.u32 s22;
	s22 =	sadd.s32 $0x40, s22  }
.Ltmp2:
0x25: {  	(pc) =	sbr.rel @p0 .LBB2_2-.Ltmp2, $2  }
0x26: {  	_ =	sdelay $0x2  }
0x27: {  	s23 =	sshra.s32 s23, $0x2  }
.Ltmp3:
0x28: {  	[tilespmem:s23+$0x5000] =	vst v0;
	(pc) =	sbr.rel .LBB2_4-.Ltmp3, $4  }
0x29: {  	[bflag:$0x0] =	sbarrier.arrive $0xFFFF  }
0x2a: {  	[tilespmem:s14], [sflag:$0x1] =	stream.linear.gather [spmem:s2], $0x1000, $0x38;
	[tilespmem:$0x1D000] =	vst v63  }
0x2b: {  	s22 =	simm.s32 $0x0  }
0x2c: {  	[tilespmem:s15], [sflag:$0x1] =	stream.linear.gather [spmem:s3], $0x1000, $0x38;
	[tilespmem:$0x1D000] =	vst v63  }
.LBB2_11:
0x2d: {  	s22 =	sadd.s32 $0x1, s22  }
0x2e: {  	p0 =	sne.s32 s22, $0x50  }
.Ltmp4:
0x2f: {  	_ = 	snop;
	(pc) =	sbr.rel @!p0 .LBB2_12-.Ltmp4, $1  }
0x30: {  	_ =	sdelay $0x3  }
.LBB2_4:
0x31: {  	s23 =	sand.u32 $0x1, s22  }
0x32: {  	p0 =	seq.s32 s23, $0x1  }
.Ltmp5:
0x33: {  	_ = 	snop;
	(pc) =	sbr.rel @p0 .LBB2_8-.Ltmp5, $1  }
0x34: {  	_ =	sdelay $0x3  }
0x35: {  	_ =	swait.ge [sflag:s18], $0x1000  }
0x36: {  	[sflag:s18] =	ssyncset.done $0x0  }
0x37: {  	[sflag:s18] =	ssyncadd.s32 $0xFFFFF000  }
0x38: {  	s24 =	sshll.u32 s22, $0xC;
	_ =	swait.ge [sflag:s18], $0x1000  }
0x39: {  	s24 =	sor.u32 $0x1000, s24;
	[sflag:s18] =	ssyncset.done $0x0  }
0x3a: {  	s25 =	sadd.s32 s24, s2;
	[sflag:s18] =	ssyncadd.s32 $0xFFFFF000  }
0x3b: {  	[tilespmem:s19], [sflag:$0x2] =	stream.linear.gather [spmem:s25], $0x1000, $0x38;
	[tilespmem:$0x1D000] =	vst v63  }
0x3c: {  	s31 =	simm.s32 $0x0;
	s24 =	sadd.s32 s24, s3  }
0x3d: {  	[tilespmem:s20], [sflag:$0x2] =	stream.linear.gather [spmem:s24], $0x1000, $0x38;
	[tilespmem:$0x1D000] =	vst v63  }
0x3e: {  	v1 =	vld [tilespmem:s31+$0xF000]  }
0x3f: {  	v2 =	vld [tilespmem:s31+$0xF030]  }
0x40: {  	v3 =	vld [tilespmem:s31+$0xF020]  }
0x41: {  	v4 =	vld [tilespmem:s31+$0xF010]  }
0x42: {  	v5 =	vld [tilespmem:s31+$0x11030]  }
0x43: {  	v7 =	vld [tilespmem:s31+$0x11020]  }
0x44: {  	v8 =	vld [tilespmem:s31+$0x11000]  }
0x45: {  	v9 =	vld [tilespmem:s31+$0x11010];
	v6 =	vadd.s32 $0x2800, v1  }
0x46: {  	v10 =	vadd.s32 $0x2800, v3;
	v1 =	vld.idx.msk [tilespmem:v1+s4+$0x0], $0xffff  }
0x47: {  	v11 =	vadd.s32 $0x2800, v4;
	v12 =	vld.idx.msk [tilespmem:v2+s4+$0x0], $0xffff  }
0x48: {  	v2 =	vadd.s32 $0x2800, v2;
	v3 =	vld.idx.msk [tilespmem:v3+s4+$0x0], $0xffff  }
0x49: {  	v4 =	vld.idx.msk [tilespmem:v4+s4+$0x0], $0xffff  }
0x4a: {  	v13 =	vadd.s32 $0x2800, v8;
	v6 =	vld.idx.msk [tilespmem:v6+s4+$0x0], $0xffff  }
0x4b: {  	v14 =	vadd.s32 $0x5000, v8;
	v10 =	vld.idx.msk [tilespmem:v10+s4+$0x0], $0xffff  }
0x4c: {  	v15 =	vadd.s32 $0x7800, v8;
	v11 =	vld.idx.msk [tilespmem:v11+s4+$0x0], $0xffff  }
0x4d: {  	v16 =	vunpack.i.l.bf16.f32 v1;
	v17 =	vld.idx.msk [tilespmem:v2+s4+$0x0], $0xffff  }
0x4e: {  	v1 =	vunpack.i.u.bf16.f32 v1;
	v2 =	vadd.s32 $0x2800, v9;
	[tilespmem:v8+s17+$0x0] =	vst.idx.add.f32.msk $0xffff, v16  }
0x4f: {  	v59 =	vadd.s32 $0x5000, v9;
	v58 =	vunpack.i.l.bf16.f32 v6;
	[tilespmem:v13+s17+$0x0] =	vst.idx.add.f32.msk $0xffff, v1  }
0x50: {  	v1 =	vunpack.i.u.bf16.f32 v6;
	v6 =	vadd.s32 $0x7800, v9;
	[tilespmem:v14+s17+$0x0] =	vst.idx.add.f32.msk $0xffff, v58  }
0x51: {  	v60 =	vunpack.i.l.bf16.f32 v4;
	[tilespmem:v15+s17+$0x0] =	vst.idx.add.f32.msk $0xffff, v1  }
0x52: {  	v1 =	vunpack.i.u.bf16.f32 v4;
	v4 =	vadd.s32 $0x2800, v7;
	[tilespmem:v9+s17+$0x0] =	vst.idx.add.f32.msk $0xffff, v60  }
0x53: {  	v62 =	vadd.s32 $0x5000, v7;
	v61 =	vunpack.i.l.bf16.f32 v11;
	[tilespmem:v2+s17+$0x0] =	vst.idx.add.f32.msk $0xffff, v1  }
0x54: {  	v1 =	vunpack.i.u.bf16.f32 v11;
	v2 =	vadd.s32 $0x7800, v7;
	[tilespmem:v59+s17+$0x0] =	vst.idx.add.f32.msk $0xffff, v61  }
0x55: {  	v63 =	vunpack.i.l.bf16.f32 v3;
	[tilespmem:v6+s17+$0x0] =	vst.idx.add.f32.msk $0xffff, v1  }
0x56: {  	v1 =	vunpack.i.u.bf16.f32 v3;
	[tilespmem:v7+s17+$0x0] =	vst.idx.add.f32.msk $0xffff, v63  }
0x57: {  	v3 =	vunpack.i.l.bf16.f32 v10;
	[tilespmem:v4+s17+$0x0] =	vst.idx.add.f32.msk $0xffff, v1  }
0x58: {  	v6 =	vadd.s32 $0x2800, v5;
	v1 =	vunpack.i.u.bf16.f32 v10;
	[tilespmem:v62+s17+$0x0] =	vst.idx.add.f32.msk $0xffff, v3  }
0x59: {  	[tilespmem:v2+s17+$0x0] =	vst.idx.add.f32.msk $0xffff, v1;
	v1 =	vadd.s32 $0x5000, v5  }
0x5a: {  	v2 =	vadd.s32 $0x7800, v5  }
0x5b: {  	v3 =	vunpack.i.l.bf16.f32 v12  }
0x5c: {  	v4 =	vunpack.i.u.bf16.f32 v12;
	[tilespmem:v5+s17+$0x0] =	vst.idx.add.f32.msk $0xffff, v3  }
0x5d: {  	s24 =	simm.s32 $0x100;
	v3 =	vunpack.i.l.bf16.f32 v17;
	[tilespmem:v6+s17+$0x0] =	vst.idx.add.f32.msk $0xffff, v4;
	v4 =	vunpack.i.u.bf16.f32 v17  }
.LBB2_6:
0x5e: {  	s25 =	sshra.s32 s24, $0x2;
	p0 =	sne.s32 s24, $0x3F00;
	s24 =	sadd.s32 $0x100, s24;
	[tilespmem:v1+s17+$0x0] =	vst.idx.add.f32.msk $0xffff, v3  }
0x5f: {  	[tilespmem:v2+s17+$0x0] =	vst.idx.add.f32.msk $0xffff, v4  }
0x60: {  	v1 =	vld [tilespmem:s25+$0xF000]  }
0x61: {  	v2 =	vld [tilespmem:s25+$0xF030]  }
0x62: {  	v3 =	vld [tilespmem:s25+$0xF020]  }
0x63: {  	v4 =	vld [tilespmem:s25+$0xF010]  }
0x64: {  	v5 =	vld [tilespmem:s25+$0x11030]  }
0x65: {  	v6 =	vadd.s32 $0x2800, v1;
	v7 =	vld [tilespmem:s25+$0x11020]  }
0x66: {  	v8 =	vld [tilespmem:s25+$0x11000];
	v9 =	vadd.s32 $0x2800, v2  }
0x67: {  	v10 =	vld [tilespmem:s25+$0x11010];
	v11 =	vadd.s32 $0x2800, v3  }
0x68: {  	v1 =	vld.idx.msk [tilespmem:v1+s4+$0x0], $0xffff;
	v12 =	vadd.s32 $0x2800, v4  }
0x69: {  	v13 =	vld.idx.msk [tilespmem:v2+s4+$0x0], $0xffff  }
0x6a: {  	v2 =	vld.idx.msk [tilespmem:v6+s4+$0x0], $0xffff  }
0x6b: {  	v3 =	vld.idx.msk [tilespmem:v3+s4+$0x0], $0xffff;
	v6 =	vadd.s32 $0x2800, v8  }
0x6c: {  	v14 =	vadd.s32 $0x5000, v8;
	v4 =	vld.idx.msk [tilespmem:v4+s4+$0x0], $0xffff  }
0x6d: {  	v15 =	vadd.s32 $0x7800, v8;
	v11 =	vld.idx.msk [tilespmem:v11+s4+$0x0], $0xffff  }
0x6e: {  	v16 =	vunpack.i.l.bf16.f32 v1;
	v12 =	vld.idx.msk [tilespmem:v12+s4+$0x0], $0xffff  }
0x6f: {  	v17 =	vadd.s32 $0x2800, v10;
	v1 =	vunpack.i.u.bf16.f32 v1;
	v9 =	vld.idx.msk [tilespmem:v9+s4+$0x0], $0xffff  }
0x70: {  	[tilespmem:v8+s17+$0x0] =	vst.idx.add.f32.msk $0xffff, v16;
	v8 =	vunpack.i.l.bf16.f32 v2;
	v16 =	vadd.s32 $0x5000, v10  }
0x71: {  	[tilespmem:v6+s17+$0x0] =	vst.idx.add.f32.msk $0xffff, v1;
	v1 =	vunpack.i.u.bf16.f32 v2;
	v2 =	vadd.s32 $0x7800, v10  }
0x72: {  	v6 =	vunpack.i.l.bf16.f32 v4;
	[tilespmem:v14+s17+$0x0] =	vst.idx.add.f32.msk $0xffff, v8  }
0x73: {  	[tilespmem:v15+s17+$0x0] =	vst.idx.add.f32.msk $0xffff, v1;
	v1 =	vunpack.i.u.bf16.f32 v4;
	v4 =	vadd.s32 $0x2800, v7  }
0x74: {  	v8 =	vadd.s32 $0x5000, v7;
	[tilespmem:v10+s17+$0x0] =	vst.idx.add.f32.msk $0xffff, v6;
	v6 =	vunpack.i.l.bf16.f32 v12  }
0x75: {  	v10 =	vadd.s32 $0x7800, v7;
	[tilespmem:v17+s17+$0x0] =	vst.idx.add.f32.msk $0xffff, v1;
	v1 =	vunpack.i.u.bf16.f32 v12  }
0x76: {  	[tilespmem:v16+s17+$0x0] =	vst.idx.add.f32.msk $0xffff, v6;
	v6 =	vunpack.i.l.bf16.f32 v3  }
0x77: {  	v12 =	vadd.s32 $0x2800, v5;
	[tilespmem:v2+s17+$0x0] =	vst.idx.add.f32.msk $0xffff, v1;
	v2 =	vunpack.i.u.bf16.f32 v3  }
0x78: {  	v3 =	vunpack.i.l.bf16.f32 v11;
	v1 =	vadd.s32 $0x5000, v5;
	[tilespmem:v7+s17+$0x0] =	vst.idx.add.f32.msk $0xffff, v6  }
.Ltmp6:
0x79: {  	[tilespmem:v4+s17+$0x0] =	vst.idx.add.f32.msk $0xffff, v2;
	v4 =	vunpack.i.u.bf16.f32 v11;
	v2 =	vadd.s32 $0x7800, v5;
	(pc) =	sbr.rel @p0 .LBB2_6-.Ltmp6, $4  }
0x7a: {  	[tilespmem:v8+s17+$0x0] =	vst.idx.add.f32.msk $0xffff, v3;
	v3 =	vunpack.i.l.bf16.f32 v13  }
0x7b: {  	[tilespmem:v10+s17+$0x0] =	vst.idx.add.f32.msk $0xffff, v4;
	v4 =	vunpack.i.u.bf16.f32 v13  }
0x7c: {  	[tilespmem:v5+s17+$0x0] =	vst.idx.add.f32.msk $0xffff, v3;
	v3 =	vunpack.i.l.bf16.f32 v9  }
0x7d: {  	[tilespmem:v12+s17+$0x0] =	vst.idx.add.f32.msk $0xffff, v4;
	v4 =	vunpack.i.u.bf16.f32 v9  }
0x7e: {  	p0 =	seq.s32 s23, $0x0  }
.Ltmp7:
0x7f: {  	_ = 	snop;
	(pc) =	sbr.rel @p0 .LBB2_11-.Ltmp7, $3  }
0x80: {  	_ =	sdelay $0x1  }
0x81: {  	[tilespmem:v1+s17+$0x0] =	vst.idx.add.f32.msk $0xffff, v3  }
0x82: {  	[tilespmem:v2+s17+$0x0] =	vst.idx.add.f32.msk $0xffff, v4  }
.LBB2_8:
0x83: {  	_ =	swait.ge [sflag:s16], $0x1000  }
0x84: {  	[sflag:s16] =	ssyncset.done $0x0  }
0x85: {  	p0 =	seq.s32 s22, $0x4F;
	[sflag:s16] =	ssyncadd.s32 $0xFFFFF000  }
0x86: {  	s23 =	sshll.u32 @!p0 s22, $0xC;
	_ =	swait.ge [sflag:s16], $0x1000  }
0x87: {  	s23 =	sadd.s32 @!p0 $0x1000, s23;
	[sflag:s16] =	ssyncset.done $0x0  }
0x88: {  	s25 =	simm.s32 @!p0 $0xF000;
	s24 =	sadd.s32 @!p0 s23, s2;
	[sflag:s16] =	ssyncadd.s32 $0xFFFFF000  }
0x89: {  	[tilespmem:s25], [sflag:$0x1] =	stream.linear.gather @!p0 [spmem:s24], $0x1000, $0x38;
	[tilespmem:$0x1D000] =	vst v63  }
0x8a: {  	s31 =	simm.s32 $0x0;
	s23 =	sadd.s32 @!p0 s23, s3;
	s24 =	simm.s32 @!p0 $0x11000  }
0x8b: {  	[tilespmem:s24], [sflag:$0x1] =	stream.linear.gather @!p0 [spmem:s23], $0x1000, $0x38;
	[tilespmem:$0x1D000] =	vst v63  }
0x8c: {  	v1 =	vld [tilespmem:s31+$0x10000]  }
0x8d: {  	v2 =	vld [tilespmem:s31+$0x10030]  }
0x8e: {  	v3 =	vld [tilespmem:s31+$0x10020]  }
0x8f: {  	v4 =	vld [tilespmem:s31+$0x10010]  }
0x90: {  	v5 =	vld [tilespmem:s31+$0x12030]  }
0x91: {  	v7 =	vld [tilespmem:s31+$0x12020]  }
0x92: {  	v8 =	vld [tilespmem:s31+$0x12000]  }
0x93: {  	v9 =	vld [tilespmem:s31+$0x12010];
	v6 =	vadd.s32 $0x2800, v1  }
0x94: {  	v10 =	vadd.s32 $0x2800, v3;
	v1 =	vld.idx.msk [tilespmem:v1+s4+$0x0], $0xffff  }
0x95: {  	v11 =	vadd.s32 $0x2800, v4;
	v12 =	vld.idx.msk [tilespmem:v2+s4+$0x0], $0xffff  }
0x96: {  	v2 =	vadd.s32 $0x2800, v2;
	v3 =	vld.idx.msk [tilespmem:v3+s4+$0x0], $0xffff  }
0x97: {  	v4 =	vld.idx.msk [tilespmem:v4+s4+$0x0], $0xffff  }
0x98: {  	v13 =	vadd.s32 $0x2800, v8;
	v6 =	vld.idx.msk [tilespmem:v6+s4+$0x0], $0xffff  }
0x99: {  	v14 =	vadd.s32 $0x5000, v8;
	v10 =	vld.idx.msk [tilespmem:v10+s4+$0x0], $0xffff  }
0x9a: {  	v15 =	vadd.s32 $0x7800, v8;
	v11 =	vld.idx.msk [tilespmem:v11+s4+$0x0], $0xffff  }
0x9b: {  	v16 =	vunpack.i.l.bf16.f32 v1;
	v17 =	vld.idx.msk [tilespmem:v2+s4+$0x0], $0xffff  }
0x9c: {  	v1 =	vunpack.i.u.bf16.f32 v1;
	v2 =	vadd.s32 $0x2800, v9;
	[tilespmem:v8+s17+$0x0] =	vst.idx.add.f32.msk $0xffff, v16  }
0x9d: {  	v59 =	vadd.s32 $0x5000, v9;
	v58 =	vunpack.i.l.bf16.f32 v6;
	[tilespmem:v13+s17+$0x0] =	vst.idx.add.f32.msk $0xffff, v1  }
0x9e: {  	v1 =	vunpack.i.u.bf16.f32 v6;
	v6 =	vadd.s32 $0x7800, v9;
	[tilespmem:v14+s17+$0x0] =	vst.idx.add.f32.msk $0xffff, v58  }
0x9f: {  	v60 =	vunpack.i.l.bf16.f32 v4;
	[tilespmem:v15+s17+$0x0] =	vst.idx.add.f32.msk $0xffff, v1  }
0xa0: {  	v1 =	vunpack.i.u.bf16.f32 v4;
	v4 =	vadd.s32 $0x2800, v7;
	[tilespmem:v9+s17+$0x0] =	vst.idx.add.f32.msk $0xffff, v60  }
0xa1: {  	v62 =	vadd.s32 $0x5000, v7;
	v61 =	vunpack.i.l.bf16.f32 v11;
	[tilespmem:v2+s17+$0x0] =	vst.idx.add.f32.msk $0xffff, v1  }
0xa2: {  	v1 =	vunpack.i.u.bf16.f32 v11;
	v2 =	vadd.s32 $0x7800, v7;
	[tilespmem:v59+s17+$0x0] =	vst.idx.add.f32.msk $0xffff, v61  }
0xa3: {  	v63 =	vunpack.i.l.bf16.f32 v3;
	[tilespmem:v6+s17+$0x0] =	vst.idx.add.f32.msk $0xffff, v1  }
0xa4: {  	v1 =	vunpack.i.u.bf16.f32 v3;
	[tilespmem:v7+s17+$0x0] =	vst.idx.add.f32.msk $0xffff, v63  }
0xa5: {  	v3 =	vunpack.i.l.bf16.f32 v10;
	[tilespmem:v4+s17+$0x0] =	vst.idx.add.f32.msk $0xffff, v1  }
0xa6: {  	v6 =	vadd.s32 $0x2800, v5;
	v1 =	vunpack.i.u.bf16.f32 v10;
	[tilespmem:v62+s17+$0x0] =	vst.idx.add.f32.msk $0xffff, v3  }
0xa7: {  	[tilespmem:v2+s17+$0x0] =	vst.idx.add.f32.msk $0xffff, v1;
	v1 =	vadd.s32 $0x5000, v5  }
0xa8: {  	v2 =	vadd.s32 $0x7800, v5  }
0xa9: {  	v3 =	vunpack.i.l.bf16.f32 v12  }
0xaa: {  	v4 =	vunpack.i.u.bf16.f32 v12;
	[tilespmem:v5+s17+$0x0] =	vst.idx.add.f32.msk $0xffff, v3  }
0xab: {  	s23 =	simm.s32 $0x100;
	v3 =	vunpack.i.l.bf16.f32 v17;
	[tilespmem:v6+s17+$0x0] =	vst.idx.add.f32.msk $0xffff, v4;
	v4 =	vunpack.i.u.bf16.f32 v17  }
.LBB2_9:
0xac: {  	s24 =	sshra.s32 s23, $0x2;
	p0 =	sne.s32 s23, $0x3F00;
	s23 =	sadd.s32 $0x100, s23;
	[tilespmem:v1+s17+$0x0] =	vst.idx.add.f32.msk $0xffff, v3  }
0xad: {  	[tilespmem:v2+s17+$0x0] =	vst.idx.add.f32.msk $0xffff, v4  }
0xae: {  	v1 =	vld [tilespmem:s24+$0x10000]  }
0xaf: {  	v2 =	vld [tilespmem:s24+$0x10030]  }
0xb0: {  	v3 =	vld [tilespmem:s24+$0x10020]  }
0xb1: {  	v4 =	vld [tilespmem:s24+$0x10010]  }
0xb2: {  	v5 =	vld [tilespmem:s24+$0x12030]  }
0xb3: {  	v6 =	vadd.s32 $0x2800, v1;
	v7 =	vld [tilespmem:s24+$0x12020]  }
0xb4: {  	v8 =	vld [tilespmem:s24+$0x12000];
	v9 =	vadd.s32 $0x2800, v2  }
0xb5: {  	v10 =	vld [tilespmem:s24+$0x12010];
	v11 =	vadd.s32 $0x2800, v3  }
0xb6: {  	v1 =	vld.idx.msk [tilespmem:v1+s4+$0x0], $0xffff;
	v12 =	vadd.s32 $0x2800, v4  }
0xb7: {  	v13 =	vld.idx.msk [tilespmem:v2+s4+$0x0], $0xffff  }
0xb8: {  	v2 =	vld.idx.msk [tilespmem:v6+s4+$0x0], $0xffff  }
0xb9: {  	v3 =	vld.idx.msk [tilespmem:v3+s4+$0x0], $0xffff;
	v6 =	vadd.s32 $0x2800, v8  }
0xba: {  	v14 =	vadd.s32 $0x5000, v8;
	v4 =	vld.idx.msk [tilespmem:v4+s4+$0x0], $0xffff  }
0xbb: {  	v15 =	vadd.s32 $0x7800, v8;
	v11 =	vld.idx.msk [tilespmem:v11+s4+$0x0], $0xffff  }
0xbc: {  	v16 =	vunpack.i.l.bf16.f32 v1;
	v12 =	vld.idx.msk [tilespmem:v12+s4+$0x0], $0xffff  }
0xbd: {  	v17 =	vadd.s32 $0x2800, v10;
	v1 =	vunpack.i.u.bf16.f32 v1;
	v9 =	vld.idx.msk [tilespmem:v9+s4+$0x0], $0xffff  }
0xbe: {  	[tilespmem:v8+s17+$0x0] =	vst.idx.add.f32.msk $0xffff, v16;
	v8 =	vunpack.i.l.bf16.f32 v2;
	v16 =	vadd.s32 $0x5000, v10  }
0xbf: {  	[tilespmem:v6+s17+$0x0] =	vst.idx.add.f32.msk $0xffff, v1;
	v1 =	vunpack.i.u.bf16.f32 v2;
	v2 =	vadd.s32 $0x7800, v10  }
0xc0: {  	v6 =	vunpack.i.l.bf16.f32 v4;
	[tilespmem:v14+s17+$0x0] =	vst.idx.add.f32.msk $0xffff, v8  }
0xc1: {  	[tilespmem:v15+s17+$0x0] =	vst.idx.add.f32.msk $0xffff, v1;
	v1 =	vunpack.i.u.bf16.f32 v4;
	v4 =	vadd.s32 $0x2800, v7  }
0xc2: {  	v8 =	vadd.s32 $0x5000, v7;
	[tilespmem:v10+s17+$0x0] =	vst.idx.add.f32.msk $0xffff, v6;
	v6 =	vunpack.i.l.bf16.f32 v12  }
0xc3: {  	v10 =	vadd.s32 $0x7800, v7;
	[tilespmem:v17+s17+$0x0] =	vst.idx.add.f32.msk $0xffff, v1;
	v1 =	vunpack.i.u.bf16.f32 v12  }
0xc4: {  	[tilespmem:v16+s17+$0x0] =	vst.idx.add.f32.msk $0xffff, v6;
	v6 =	vunpack.i.l.bf16.f32 v3  }
0xc5: {  	v12 =	vadd.s32 $0x2800, v5;
	[tilespmem:v2+s17+$0x0] =	vst.idx.add.f32.msk $0xffff, v1;
	v2 =	vunpack.i.u.bf16.f32 v3  }
0xc6: {  	v3 =	vunpack.i.l.bf16.f32 v11;
	v1 =	vadd.s32 $0x5000, v5;
	[tilespmem:v7+s17+$0x0] =	vst.idx.add.f32.msk $0xffff, v6  }
.Ltmp8:
0xc7: {  	[tilespmem:v4+s17+$0x0] =	vst.idx.add.f32.msk $0xffff, v2;
	v4 =	vunpack.i.u.bf16.f32 v11;
	v2 =	vadd.s32 $0x7800, v5;
	(pc) =	sbr.rel @p0 .LBB2_9-.Ltmp8, $4  }
0xc8: {  	[tilespmem:v8+s17+$0x0] =	vst.idx.add.f32.msk $0xffff, v3;
	v3 =	vunpack.i.l.bf16.f32 v13  }
0xc9: {  	[tilespmem:v10+s17+$0x0] =	vst.idx.add.f32.msk $0xffff, v4;
	v4 =	vunpack.i.u.bf16.f32 v13  }
0xca: {  	[tilespmem:v5+s17+$0x0] =	vst.idx.add.f32.msk $0xffff, v3;
	v3 =	vunpack.i.l.bf16.f32 v9  }
0xcb: {  	[tilespmem:v12+s17+$0x0] =	vst.idx.add.f32.msk $0xffff, v4;
	v4 =	vunpack.i.u.bf16.f32 v9  }
0xcc: {  	_ = 	snop  }
.Ltmp9:
0xcd: {  	_ = 	snop;
	(pc) =	sbr.rel .LBB2_11-.Ltmp9, $3  }
0xce: {  	_ =	sdelay $0x1  }
0xcf: {  	[tilespmem:v1+s17+$0x0] =	vst.idx.add.f32.msk $0xffff, v3  }
0xd0: {  	[tilespmem:v2+s17+$0x0] =	vst.idx.add.f32.msk $0xffff, v4  }
.LBB2_13:
0xd1: {  	_ =	sfence.sel $0x180000  }
0xd2: {  	[bflag:$0x0] =	sbarrier.arrive $0xFFFF  }
0xd3: {  	p0 =	sne.s32 s0, $0x0;
	_ =	strace $0x9000004A  }
0xd4: {  	s0 =	sadd.s32 @!p0 $0x100000, s1;
	[bflag:$0x2] =	sbarrier.arrive $0xFFFF  }
0xd5: {  	[sflag:s0] =	ssyncadd.tile.s32 @!p0 $0x1;
	_ =	shalt  }
.Lfunc_end2:
_tile_overlayer_lowered:
.L_overlay_start_2:
0xd6: {  	(tag) =	ssettag $0x2  }
0xd7: {  	s0 =	rddreg [dreg:$0x0];
	s2 =	stileid.u32  }
0xd8: {  	s1 =	rddreg [dreg:$0x1];
	p0 =	sne.s32 s2, $0x0  }
0xd9: {  	s3 =	rddreg [dreg:$0x2];
	[bflag:$0x3] =	sbarrier.arrive $0xFFFF;
	s2 =	simm.s32 @!p0 $0x1C03  }
0xda: {  	[timem:s3], [sflag:s2] =	dma.local @!p0 [hbm:s0], s1  }
0xdb: {  	s0 =	simm.s32 @!p0 $0x3  }
0xdc: {  	_ =	swait.ge @!p0 [sflag:s0], s1  }
0xdd: {  	s1 =	ssub.s32 @!p0 $0x0, s1;
	[sflag:s0] =	ssyncset.done @!p0 $0x0  }
0xde: {  	[sflag:s0] =	ssyncadd.s32 @!p0 s1  }
0xdf: {  	[bflag:$0x3] =	sbarrier.arrive $0xFFFF  }
0xe0: {  	_ =	shalt  }

// kernel: kernel.14.cloned.1.call-start
scs
__scs_entry_jumppad:
0x0: {  	(pc) =	sbr.rel $0x88, $3  }
0x1: {  	(tag) =	ssettag $0x0;
	lr =	simm.s32 $0x1  }
0x2: {  	[smem:$0x3F98] =	sst lr;
	_ =	strace $0xD0000000  }
0x3: {  	_ = 	snop  }
0x4: {  	_ = 	snop  }
0x5: {  	_ = 	snop  }
0x6: {  	_ = 	snop  }
0x7: {  	_ = 	snop  }
__scs_overlays_trampoline_lowered:
0x8: {  	[smem:$0x3FA7] =	sst s0  }
0x9: {  	[smem:$0x3FA8] =	sst s1  }
0xa: {  	[smem:$0x3FA9] =	sst s2  }
0xb: {  	[smem:$0x3FAA] =	sst s3  }
0xc: {  	[smem:$0x3FAB] =	sst s4  }
0xd: {  	[smem:$0x3FAC] =	sst s5  }
0xe: {  	[smem:$0x3FAD] =	sst s6  }
0xf: {  	[smem:$0x3FAE] =	sst s7  }
0x10: {  	[smem:$0x3FAF] =	sst s8  }
0x11: {  	[smem:$0x3FB0] =	sst s9;
	s0 =	simm.s32 @!p0 $0x0  }
0x12: {  	s1 =	sld [smem:$0x3F96];
	s0 =	simm.s32 @p0 $0x1  }
0x13: {  	[smem:$0x3FB1] =	sst s0;
	s0 =	simm.s32 @!p1 $0x0  }
0x14: {  	s2 =	sld [smem:$0x3F95];
	s0 =	simm.s32 @p1 $0x1  }
0x15: {  	[smem:$0x3FB2] =	sst s0;
	s0 =	simm.s32 @!p2 $0x0  }
0x16: {  	s3 =	sld [smem:$0x3FDB];
	s0 =	simm.s32 @p2 $0x1  }
0x17: {  	s4 =	simm.s32 $0x1BF5;
	[smem:$0x3FB4] =	sst s0  }
0x18: {  	s0 =	sld [smem:$0x3F97];
	_ =	swait.ge [sflag:s4], $0x0  }
0x19: {  	s7 =	sld [smem:$0x3F98]  }
0x1a: {  	s8 =	sadd.s32 $0xFFFFE003, lr  }
0x1b: {  	s9 =	sadd.s32 $0xFFFFFEF7, lr;
	s5 =	simm.s32 $0xFFFFFFFF;
	p2 =	slt.u32 s8, $0xFFFFF086  }
0x1c: {  	p1 =	slt.u32 s9, $0xF7A;
	s5 =	simm.s32 @!p2 $0x0  }
0x1d: {  	s5 =	simm.s32 @p1 $0x1;
	p0 =	seq.s32 s7, s2  }
0x1e: {  	s7 =	smul.u32 @!p0 $0xF7A, s2;
	p2 =	seq.s32 @!p0 s5, $0x0  }
0x1f: {  	s9 =	smul.u32 $0xF7A, s1;
	s8 =	simm.s32 @!p0 $0x1BF5;
	p2 =	por !p2, p0  }
0x20: {  	[sflag:s8] =	ssyncset.s32 @!p0 $0xFFFFF086;
	s6 =	sadd.s32 @!p0 s3, s7;
	s7 =	simm.s32 @!p0 $0x108  }
0x21: {  	s3 =	sadd.s32 s3, s9;
	s6 =	sadd.s32 @!p0 $0x88, s6;
	s7 =	simm.s32 @p2 $0x1082  }
0x22: {  	[simem:s7], [sflag:s8] =	dma.local @!p0 [hbm:s6], $0xF7A  }
0x23: {  	s9 =	sor.u32 $0xD0000000, s2;
	s6 =	simm.s32 $0x108;
	_ =	swait.ge @!p0 [sflag:s8], $0x0  }
0x24: {  	s3 =	sadd.s32 $0x88, s3;
	s6 =	simm.s32 @!p1 $0x1082;
	[sflag:s4] =	ssyncset.s32 $0xFFFFF086  }
0x25: {  	[simem:s6], [sflag:s4] =	dma.local [hbm:s3], $0xF7A  }
0x26: {  	[smem:$0x3F98] =	sst s1;
	(tag) =	ssettag s2;
	_ =	strace s9  }
0x27: {  	s1 =	sld [smem:$0x3FA8]  }
0x28: {  	s2 =	sld [smem:$0x3FA9]  }
0x29: {  	s4 =	sld [smem:$0x3FAB]  }
0x2a: {  	p0 =	seq.s32 s5, $0x0;
	s5 =	sld [smem:$0x3FAC]  }
0x2b: {  	s6 =	sld [smem:$0x3FAD]  }
0x2c: {  	s7 =	sld [smem:$0x3FAE]  }
0x2d: {  	s3 =	simm.s32 $0x108;
	s8 =	sld [smem:$0x3FAF]  }
0x2e: {  	s3 =	simm.s32 @!p0 $0x1082;
	s9 =	sld [smem:$0x3FB0]  }
0x2f: {  	lr =	sadd.s32 s0, s3;
	s0 =	sld [smem:$0x3FA7]  }
0x30: {  	s3 =	sld [smem:$0x3FAA]  }
0x31: {  	[smem:$0x3FB3] =	sst s10  }
0x32: {  	s10 =	sld [smem:$0x3FB1];
	_ =	sdelay $0x3  }
0x33: {  	p0 =	seq.s32 s10, $0x1;
	s10 =	sld [smem:$0x3FB3];
	_ =	sdelay $0x3  }
0x34: {  	[smem:$0x3FB3] =	sst s10  }
0x35: {  	s10 =	sld [smem:$0x3FB2];
	_ =	sdelay $0x3  }
0x36: {  	p1 =	seq.s32 s10, $0x1;
	s10 =	sld [smem:$0x3FB3];
	_ =	sdelay $0x3  }
0x37: {  	[smem:$0x3FB3] =	sst s10  }
0x38: {  	s10 =	sld [smem:$0x3FB4]  }
0x39: {  	_ = 	snop;
	(pc) =	sbr.ind lr, $3  }
0x3a: {  	_ = 	snop  }
0x3b: {  	_ = 	snop  }
0x3c: {  	p2 =	seq.s32 s10, $0x1;
	s10 =	sld [smem:$0x3FB3]  }
0x3d: {  	_ =	shalt  }
0x3e: {  	_ =	shalt  }
0x3f: {  	_ =	shalt  }
0x40: {  	_ =	shalt  }
0x41: {  	_ =	shalt  }
0x42: {  	_ =	shalt  }
0x43: {  	_ =	shalt  }
0x44: {  	_ =	shalt  }
0x45: {  	_ =	shalt  }
0x46: {  	_ =	shalt  }
0x47: {  	_ =	shalt  }
0x48: {  	_ =	shalt  }
0x49: {  	_ =	shalt  }
0x4a: {  	_ =	shalt  }
0x4b: {  	_ =	shalt  }
0x4c: {  	_ =	shalt  }
0x4d: {  	_ =	shalt  }
0x4e: {  	_ =	shalt  }
0x4f: {  	_ =	shalt  }
0x50: {  	_ =	shalt  }
0x51: {  	_ =	shalt  }
0x52: {  	_ =	shalt  }
0x53: {  	_ =	shalt  }
0x54: {  	_ =	shalt  }
0x55: {  	_ =	shalt  }
0x56: {  	_ =	shalt  }
0x57: {  	_ =	shalt  }
0x58: {  	_ =	shalt  }
0x59: {  	_ =	shalt  }
0x5a: {  	_ =	shalt  }
0x5b: {  	_ =	shalt  }
0x5c: {  	_ =	shalt  }
0x5d: {  	_ =	shalt  }
0x5e: {  	_ =	shalt  }
0x5f: {  	_ =	shalt  }
0x60: {  	_ =	shalt  }
0x61: {  	_ =	shalt  }
0x62: {  	_ =	shalt  }
0x63: {  	_ =	shalt  }
0x64: {  	_ =	shalt  }
0x65: {  	_ =	shalt  }
0x66: {  	_ =	shalt  }
0x67: {  	_ =	shalt  }
0x68: {  	_ =	shalt  }
0x69: {  	_ =	shalt  }
0x6a: {  	_ =	shalt  }
0x6b: {  	_ =	shalt  }
0x6c: {  	_ =	shalt  }
0x6d: {  	_ =	shalt  }
0x6e: {  	_ =	shalt  }
0x6f: {  	_ =	shalt  }
0x70: {  	_ =	shalt  }
0x71: {  	_ =	shalt  }
0x72: {  	_ =	shalt  }
0x73: {  	_ =	shalt  }
0x74: {  	_ =	shalt  }
0x75: {  	_ =	shalt  }
0x76: {  	_ =	shalt  }
0x77: {  	_ =	shalt  }
0x78: {  	_ =	shalt  }
0x79: {  	_ =	shalt  }
0x7a: {  	_ =	shalt  }
0x7b: {  	_ =	shalt  }
0x7c: {  	_ =	shalt  }
0x7d: {  	_ =	shalt  }
0x7e: {  	_ =	shalt  }
0x7f: {  	_ =	shalt  }
0x80: {  	_ =	shalt  }
0x81: {  	_ =	shalt  }
0x82: {  	_ =	shalt  }
0x83: {  	_ =	shalt  }
0x84: {  	_ =	shalt  }
0x85: {  	_ =	shalt  }
0x86: {  	_ =	shalt  }
0x87: {  	_ =	shalt  }
.Lfunc_end0:
.L_simem_size_0:
called_computation.2_lowered:
.L_overlay_start_0:
0x88: {  	s2 =	sld [smem:$0x3FD9]  }
0x89: {  	s3 =	sld [smem:$0x3FFE];
	_ =	sdelay $0x1  }
0x8a: {  	s1 =	srdreg.scid  }
0x8b: {  	s0 =	sand.u32 $0x1, s1  }
0x8c: {  	s16 =	sshll.u32 s0, $0xA;
	s2 =	sadd.s32 s3, s2  }
0x8d: {  	s2 =	sadd.s32 s2, s16  }
0x8e: {  	[smem:$0x3FBF] =	sst s2  }
0x8f: {  	_ = 	snop  }
0x90: {  	(tm) =	ssettm $0x1  }
0x91: {  	s17 =	sld [smem:$0x3FFB];
	_ =	sdelay $0x3  }
0x92: {  	_ =	strace s17  }
0x93: {  	s2 =	sld [smem:$0x3FFC];
	_ =	sdelay $0x3  }
0x94: {  	_ =	strace s2  }
0x95: {  	s2 =	sld [smem:$0x3FFD];
	_ =	sdelay $0x3  }
0x96: {  	_ =	strace s2  }
0x97: {  	_ =	strace $0x8FFFFFFF  }
0x98: {  	s18 =	sld [smem:$0x3FDB];
	_ =	sdelay $0x1  }
0x99: {  	s19 =	simm.s32 $_scs_section_size  }
0x9a: {  	s4 =	simm.s32 $_size__tile_overlayer_lowered;
	s5 =	simm.s32 $_tile_overlayer_lowered  }
0x9b: {  	s22 =	simm.s32 $0x1BFF;
	s21 =	sshll.u32 s5, $0x1;
	s2 =	sadd.s32 s19, s18  }
0x9c: {  	s6 =	simm.s32 $0x0;
	s20 =	sshll.u32 s4, $0x1;
	s4 =	sadd.s32 s21, s2  }
0x9d: {  	[timem:s6], [sflag:s22] =	dma.local [hbm:s4], s20  }
0x9e: {  	_ =	swait.ge [sflag:s22], s20  }
0x9f: {  	s3 =	ssub.s32 $0x0, s20;
	[sflag:s22] =	ssyncset.done $0x0  }
0xa0: {  	[sflag:s22] =	ssyncadd.s32 s3;
	_ =	sdelay $0x1  }
0xa1: {  	s23 =	simm.s32 $0x1B8B  }
0xa2: {  	_ =	swait.ge [sflag:s23], $0x1  }
0xa3: {  	[sflag:s23] =	ssyncset.done $0x0  }
0xa4: {  	s25 =	simm.s32 $0x1B8E;
	s24 =	sld [smem:$0x3FFE];
	[sflag:s23] =	ssyncadd.s32 $0xFFFFFFFF  }
0xa5: {  	s26 =	simm.s32 $execute0_lowered;
	[smem:$0x3FD2] =	sst s25  }
0xa6: {  	s4 =	sshll.u32 s26, $0x1;
	_ =	strace $0x8000004C;
	[dreg:$0x1] =	wrdreg $0xFFFFFFFF  }
0xa7: {  	s28 =	simm.s32 $_size_execute0_lowered;
	s2 =	sadd.s32 s2, s4;
	[dreg:$0x0] =	wrdreg $0x0  }
0xa8: {  	s4 =	sshll.u32 s28, $0x1;
	[dreg:$0x2] =	wrdreg s2  }
0xa9: {  	[dreg:$0x3] =	wrdreg s4  }
0xaa: {  	[dreg:$0x4] =	wrdreg $0xC0  }
0xab: {  	_ =	task [dreg:s6], $0x5FFFF  }
0xac: {  	[dreg:$0x1] =	wrdreg $0xFFFFFFFF  }
0xad: {  	[dreg:$0x0] =	wrdreg $0x60  }
0xae: {  	[dreg:$0x2] =	wrdreg s24  }
0xaf: {  	[dreg:$0x3] =	wrdreg $0x130000  }
0xb0: {  	[dreg:$0x4] =	wrdreg $0x180000  }
0xb1: {  	[dreg:$0x5] =	wrdreg $0x9  }
0xb2: {  	_ =	task.clear_ibuf [dreg:s6], $0x6FFFF;
	_ =	strace $0x9000004C  }
0xb3: {  	s29 =	simm.s32 $0x9;
	_ =	strace $0x8000004E  }
0xb4: {  	_ =	swait.ge [sflag:s29], $0x1  }
0xb5: {  	[sflag:s29] =	ssyncadd.s32 $0xFFFFFFFF  }
0xb6: {  	_ =	strace $0x9000004E  }
0xb7: {  	_ =	sfence  }
0xb8: {  	s30 =	sld [smem:$0x0];
	_ =	sdelay $0x2  }
0xb9: {  	s31 =	sshll.u32 s1, $0xD;
	s1 =	sshrl.u32 s1, $0x2  }
0xba: {  	s3 =	sand.u32 $0x4000, s31;
	s1 =	sadd.s32 s1, s30  }
0xbb: {  	s0 =	sor.u32 s3, s0;
	s1 =	sshll.u32 s1, $0x11  }
0xbc: {  	s0 =	sor.u32 s1, s0  }
0xbd: {  	s0 =	sadd.s32 $0x8F2B, s0  }
0xbe: {  	[sflag:s0] =	ssyncadd.remote.s32 $0x1  }
0xbf: {  	_ =	sfence.sel $0xFFFF  }
0xc0: {  	[dreg:$0x0] =	wrdreg $0xFFFFFFFF;
	(pc) =	sbr.abs _section_cstart, $3  }
0xc1: {  	[dreg:$0x1] =	wrdreg $0xFFFFFFFF  }
0xc2: {  	_ =	task.clear_ibuf [dreg:s6], $0x2FFFF;
	_ =	strace $0x9FFFFFFF  }
0xc3: {  	(tm) =	ssettm $0x7FFFFFFF  }
tec
execute0_lowered:
.L_overlay_start_1:
0x0: {  	(tag) =	ssettag $0x1  }
0x1: {  	s5 =	rddreg [dreg:$0x0]  }
0x2: {  	s2 =	rddreg [dreg:$0x1]  }
0x3: {  	s0 =	srdreg.scid;
	s3 =	rddreg [dreg:$0x2]  }
0x4: {  	s4 =	simm.s32 $0x0;
	s15 =	simm.s32 $0x11000;
	s16 =	simm.s32 $0x2  }
0x5: {  	s17 =	simm.s32 $0x5000;
	s18 =	simm.s32 $0x1;
	s19 =	simm.s32 $0x10000  }
0x6: {  	s20 =	simm.s32 $0x12000;
	s21 =	simm.s32 $0x0;
	s6 =	sand.u32 $0x1, s0  }
0x7: {  	s0 =	stileid.u32;
	[smem:$0x7FF] =	sst s4;
	s1 =	sshll.u32 s6, $0x4  }
0x8: {  	s9 =	smul.u32 $0x5000, s0;
	s6 =	ssub.s32 $0x2, s6;
	s7 =	sor.u32 s0, s1  }
0x9: {  	s31 =	sshll.u32 s0, $0x6;
	s1 =	rddreg [dreg:$0x3];
	s8 =	smul.u32 $0xA00, s7  }
0xa: {  	_ =	strace $0x8000004D;
	s30 =	sshrl.u32 s6, $0x1;
	s7 =	smul.u32 $0x1400, s7  }
0xb: {  	s10 =	sshrl.u32 s9, $0x3;
	s12 =	ssub.s32 s6, s30;
	s13 =	sadd.s32 s9, s2  }
.Ltmp0:
0xc: {  	s6 =	sor.u32 $0x1C03, s31;
	s14 =	sadd.s32 s9, s3;
	(pc) =	sbr.rel .LBB2_1-.Ltmp0, $4  }
0xd: {  	s10 =	sadd.s32 s10, s5;
	s8 =	sadd.s32 s8, s5;
	s11 =	sadd.s32 s7, s5  }
0xe: {  	s5 =	sadd.s32 $0xAE00, s10;
	s7 =	sadd.s32 $0x400, s10;
	s10 =	smax.u32 s12, $0x1  }
0xf: {  	s12 =	simm.s32 $0x3;
	s8 =	sadd.s32 $0x14E00, s8;
	s9 =	sadd.s32 $0x28E00, s11  }
0x10: {  	v0 =	vimm.f32 $0.0e+00;
	s11 =	sshrl.u32 s13, $0x3;
	s13 =	sshrl.u32 s14, $0x3;
	s14 =	simm.s32 $0xF000  }
.LBB2_12:
0x11: {  	s21 =	sadd.s32 $0x1, s21  }
0x12: {  	p0 =	sne.s32 s21, s10  }
.Ltmp1:
0x13: {  	_ = 	snop;
	(pc) =	sbr.rel @!p0 .LBB2_13-.Ltmp1, $4  }
0x14: {  	[hbm4b:s9+s4] =	stream.linear.scatter [tilespmem:s17], [sflag:$0x3], $0xA000, $0x38;
	[tilespmem:$0x1D000] =	vst v63  }
0x15: {  	_ =	swait.ge [sflag:s12], $0xA000  }
0x16: {  	[sflag:s12] =	ssyncset.done $0x0  }
0x17: {  	[sflag:s12] =	ssyncadd.s32 $0xFFFF6000  }
.LBB2_1:
0x18: {  	[spmem:s11], [sflag:s6] =	dma.local [hbm:s5], $0xA00  }
0x19: {  	_ =	swait.ge [sflag:s12], $0xA00  }
0x1a: {  	[sflag:s12] =	ssyncset.done $0x0  }
0x1b: {  	[sflag:s12] =	ssyncadd.s32 $0xFFFFF600  }
0x1c: {  	[spmem:s13], [sflag:s6] =	dma.local [hbm:s7], $0xA00  }
0x1d: {  	_ =	swait.ge [sflag:s12], $0xA00  }
0x1e: {  	[sflag:s12] =	ssyncset.done $0x0  }
0x1f: {  	[sflag:s12] =	ssyncadd.s32 $0xFFFFF600  }
0x20: {  	[tilespmem:s4], [sflag:$0x3] =	stream.linear.gather [hbm4b:s8+s4], $0x5000, $0x38;
	[tilespmem:$0x1D000] =	vst v63  }
0x21: {  	_ =	swait.ge [sflag:s12], $0x5000  }
0x22: {  	[sflag:s12] =	ssyncset.done $0x0  }
0x23: {  	s22 =	simm.s32 $0x40;
	s23 =	simm.s32 $0x0;
	[sflag:s12] =	ssyncadd.s32 $0xFFFFB000  }
.LBB2_2:
0x24: {  	p0 =	sne.s32 s22, $0x27FC0;
	[tilespmem:s23+$0x5000] =	vst v0;
	s23 =	smov.u32 s22;
	s22 =	sadd.s32 $0x40, s22  }
.Ltmp2:
0x25: {  	(pc) =	sbr.rel @p0 .LBB2_2-.Ltmp2, $2  }
0x26: {  	_ =	sdelay $0x2  }
0x27: {  	s23 =	sshra.s32 s23, $0x2  }
.Ltmp3:
0x28: {  	[tilespmem:s23+$0x5000] =	vst v0;
	(pc) =	sbr.rel .LBB2_4-.Ltmp3, $4  }
0x29: {  	[bflag:$0x0] =	sbarrier.arrive $0xFFFF  }
0x2a: {  	[tilespmem:s14], [sflag:$0x1] =	stream.linear.gather [spmem:s2], $0x1000, $0x38;
	[tilespmem:$0x1D000] =	vst v63  }
0x2b: {  	s22 =	simm.s32 $0x0  }
0x2c: {  	[tilespmem:s15], [sflag:$0x1] =	stream.linear.gather [spmem:s3], $0x1000, $0x38;
	[tilespmem:$0x1D000] =	vst v63  }
.LBB2_11:
0x2d: {  	s22 =	sadd.s32 $0x1, s22  }
0x2e: {  	p0 =	sne.s32 s22, $0x50  }
.Ltmp4:
0x2f: {  	_ = 	snop;
	(pc) =	sbr.rel @!p0 .LBB2_12-.Ltmp4, $1  }
0x30: {  	_ =	sdelay $0x3  }
.LBB2_4:
0x31: {  	s23 =	sand.u32 $0x1, s22  }
0x32: {  	p0 =	seq.s32 s23, $0x1  }
.Ltmp5:
0x33: {  	_ = 	snop;
	(pc) =	sbr.rel @p0 .LBB2_8-.Ltmp5, $1  }
0x34: {  	_ =	sdelay $0x3  }
0x35: {  	_ =	swait.ge [sflag:s18], $0x1000  }
0x36: {  	[sflag:s18] =	ssyncset.done $0x0  }
0x37: {  	[sflag:s18] =	ssyncadd.s32 $0xFFFFF000  }
0x38: {  	s24 =	sshll.u32 s22, $0xC;
	_ =	swait.ge [sflag:s18], $0x1000  }
0x39: {  	s24 =	sor.u32 $0x1000, s24;
	[sflag:s18] =	ssyncset.done $0x0  }
0x3a: {  	s25 =	sadd.s32 s24, s2;
	[sflag:s18] =	ssyncadd.s32 $0xFFFFF000  }
0x3b: {  	[tilespmem:s19], [sflag:$0x2] =	stream.linear.gather [spmem:s25], $0x1000, $0x38;
	[tilespmem:$0x1D000] =	vst v63  }
0x3c: {  	s31 =	simm.s32 $0x0;
	s24 =	sadd.s32 s24, s3  }
0x3d: {  	[tilespmem:s20], [sflag:$0x2] =	stream.linear.gather [spmem:s24], $0x1000, $0x38;
	[tilespmem:$0x1D000] =	vst v63  }
0x3e: {  	v1 =	vld [tilespmem:s31+$0xF000]  }
0x3f: {  	v2 =	vld [tilespmem:s31+$0xF030]  }
0x40: {  	v3 =	vld [tilespmem:s31+$0xF020]  }
0x41: {  	v4 =	vld [tilespmem:s31+$0xF010]  }
0x42: {  	v5 =	vld [tilespmem:s31+$0x11030]  }
0x43: {  	v7 =	vld [tilespmem:s31+$0x11020]  }
0x44: {  	v8 =	vld [tilespmem:s31+$0x11000]  }
0x45: {  	v9 =	vld [tilespmem:s31+$0x11010];
	v6 =	vadd.s32 $0x2800, v1  }
0x46: {  	v10 =	vadd.s32 $0x2800, v3;
	v1 =	vld.idx.msk [tilespmem:v1+s4+$0x0], $0xffff  }
0x47: {  	v11 =	vadd.s32 $0x2800, v4;
	v12 =	vld.idx.msk [tilespmem:v2+s4+$0x0], $0xffff  }
0x48: {  	v2 =	vadd.s32 $0x2800, v2;
	v3 =	vld.idx.msk [tilespmem:v3+s4+$0x0], $0xffff  }
0x49: {  	v4 =	vld.idx.msk [tilespmem:v4+s4+$0x0], $0xffff  }
0x4a: {  	v13 =	vadd.s32 $0x2800, v8;
	v6 =	vld.idx.msk [tilespmem:v6+s4+$0x0], $0xffff  }
0x4b: {  	v14 =	vadd.s32 $0x5000, v8;
	v10 =	vld.idx.msk [tilespmem:v10+s4+$0x0], $0xffff  }
0x4c: {  	v15 =	vadd.s32 $0x7800, v8;
	v11 =	vld.idx.msk [tilespmem:v11+s4+$0x0], $0xffff  }
0x4d: {  	v16 =	vunpack.i.l.bf16.f32 v1;
	v17 =	vld.idx.msk [tilespmem:v2+s4+$0x0], $0xffff  }
0x4e: {  	v1 =	vunpack.i.u.bf16.f32 v1;
	v2 =	vadd.s32 $0x2800, v9;
	[tilespmem:v8+s17+$0x0] =	vst.idx.add.f32.msk $0xffff, v16  }
0x4f: {  	v59 =	vadd.s32 $0x5000, v9;
	v58 =	vunpack.i.l.bf16.f32 v6;
	[tilespmem:v13+s17+$0x0] =	vst.idx.add.f32.msk $0xffff, v1  }
0x50: {  	v1 =	vunpack.i.u.bf16.f32 v6;
	v6 =	vadd.s32 $0x7800, v9;
	[tilespmem:v14+s17+$0x0] =	vst.idx.add.f32.msk $0xffff, v58  }
0x51: {  	v60 =	vunpack.i.l.bf16.f32 v4;
	[tilespmem:v15+s17+$0x0] =	vst.idx.add.f32.msk $0xffff, v1  }
0x52: {  	v1 =	vunpack.i.u.bf16.f32 v4;
	v4 =	vadd.s32 $0x2800, v7;
	[tilespmem:v9+s17+$0x0] =	vst.idx.add.f32.msk $0xffff, v60  }
0x53: {  	v62 =	vadd.s32 $0x5000, v7;
	v61 =	vunpack.i.l.bf16.f32 v11;
	[tilespmem:v2+s17+$0x0] =	vst.idx.add.f32.msk $0xffff, v1  }
0x54: {  	v1 =	vunpack.i.u.bf16.f32 v11;
	v2 =	vadd.s32 $0x7800, v7;
	[tilespmem:v59+s17+$0x0] =	vst.idx.add.f32.msk $0xffff, v61  }
0x55: {  	v63 =	vunpack.i.l.bf16.f32 v3;
	[tilespmem:v6+s17+$0x0] =	vst.idx.add.f32.msk $0xffff, v1  }
0x56: {  	v1 =	vunpack.i.u.bf16.f32 v3;
	[tilespmem:v7+s17+$0x0] =	vst.idx.add.f32.msk $0xffff, v63  }
0x57: {  	v3 =	vunpack.i.l.bf16.f32 v10;
	[tilespmem:v4+s17+$0x0] =	vst.idx.add.f32.msk $0xffff, v1  }
0x58: {  	v6 =	vadd.s32 $0x2800, v5;
	v1 =	vunpack.i.u.bf16.f32 v10;
	[tilespmem:v62+s17+$0x0] =	vst.idx.add.f32.msk $0xffff, v3  }
0x59: {  	[tilespmem:v2+s17+$0x0] =	vst.idx.add.f32.msk $0xffff, v1;
	v1 =	vadd.s32 $0x5000, v5  }
0x5a: {  	v2 =	vadd.s32 $0x7800, v5  }
0x5b: {  	v3 =	vunpack.i.l.bf16.f32 v12  }
0x5c: {  	v4 =	vunpack.i.u.bf16.f32 v12;
	[tilespmem:v5+s17+$0x0] =	vst.idx.add.f32.msk $0xffff, v3  }
0x5d: {  	s24 =	simm.s32 $0x100;
	v3 =	vunpack.i.l.bf16.f32 v17;
	[tilespmem:v6+s17+$0x0] =	vst.idx.add.f32.msk $0xffff, v4;
	v4 =	vunpack.i.u.bf16.f32 v17  }
.LBB2_6:
0x5e: {  	s25 =	sshra.s32 s24, $0x2;
	p0 =	sne.s32 s24, $0x3F00;
	s24 =	sadd.s32 $0x100, s24;
	[tilespmem:v1+s17+$0x0] =	vst.idx.add.f32.msk $0xffff, v3  }
0x5f: {  	[tilespmem:v2+s17+$0x0] =	vst.idx.add.f32.msk $0xffff, v4  }
0x60: {  	v1 =	vld [tilespmem:s25+$0xF000]  }
0x61: {  	v2 =	vld [tilespmem:s25+$0xF030]  }
0x62: {  	v3 =	vld [tilespmem:s25+$0xF020]  }
0x63: {  	v4 =	vld [tilespmem:s25+$0xF010]  }
0x64: {  	v5 =	vld [tilespmem:s25+$0x11030]  }
0x65: {  	v6 =	vadd.s32 $0x2800, v1;
	v7 =	vld [tilespmem:s25+$0x11020]  }
0x66: {  	v8 =	vld [tilespmem:s25+$0x11000];
	v9 =	vadd.s32 $0x2800, v2  }
0x67: {  	v10 =	vld [tilespmem:s25+$0x11010];
	v11 =	vadd.s32 $0x2800, v3  }
0x68: {  	v1 =	vld.idx.msk [tilespmem:v1+s4+$0x0], $0xffff;
	v12 =	vadd.s32 $0x2800, v4  }
0x69: {  	v13 =	vld.idx.msk [tilespmem:v2+s4+$0x0], $0xffff  }
0x6a: {  	v2 =	vld.idx.msk [tilespmem:v6+s4+$0x0], $0xffff  }
0x6b: {  	v3 =	vld.idx.msk [tilespmem:v3+s4+$0x0], $0xffff;
	v6 =	vadd.s32 $0x2800, v8  }
0x6c: {  	v14 =	vadd.s32 $0x5000, v8;
	v4 =	vld.idx.msk [tilespmem:v4+s4+$0x0], $0xffff  }
0x6d: {  	v15 =	vadd.s32 $0x7800, v8;
	v11 =	vld.idx.msk [tilespmem:v11+s4+$0x0], $0xffff  }
0x6e: {  	v16 =	vunpack.i.l.bf16.f32 v1;
	v12 =	vld.idx.msk [tilespmem:v12+s4+$0x0], $0xffff  }
0x6f: {  	v17 =	vadd.s32 $0x2800, v10;
	v1 =	vunpack.i.u.bf16.f32 v1;
	v9 =	vld.idx.msk [tilespmem:v9+s4+$0x0], $0xffff  }
0x70: {  	[tilespmem:v8+s17+$0x0] =	vst.idx.add.f32.msk $0xffff, v16;
	v8 =	vunpack.i.l.bf16.f32 v2;
	v16 =	vadd.s32 $0x5000, v10  }
0x71: {  	[tilespmem:v6+s17+$0x0] =	vst.idx.add.f32.msk $0xffff, v1;
	v1 =	vunpack.i.u.bf16.f32 v2;
	v2 =	vadd.s32 $0x7800, v10  }
0x72: {  	v6 =	vunpack.i.l.bf16.f32 v4;
	[tilespmem:v14+s17+$0x0] =	vst.idx.add.f32.msk $0xffff, v8  }
0x73: {  	[tilespmem:v15+s17+$0x0] =	vst.idx.add.f32.msk $0xffff, v1;
	v1 =	vunpack.i.u.bf16.f32 v4;
	v4 =	vadd.s32 $0x2800, v7  }
0x74: {  	v8 =	vadd.s32 $0x5000, v7;
	[tilespmem:v10+s17+$0x0] =	vst.idx.add.f32.msk $0xffff, v6;
	v6 =	vunpack.i.l.bf16.f32 v12  }
0x75: {  	v10 =	vadd.s32 $0x7800, v7;
	[tilespmem:v17+s17+$0x0] =	vst.idx.add.f32.msk $0xffff, v1;
	v1 =	vunpack.i.u.bf16.f32 v12  }
0x76: {  	[tilespmem:v16+s17+$0x0] =	vst.idx.add.f32.msk $0xffff, v6;
	v6 =	vunpack.i.l.bf16.f32 v3  }
0x77: {  	v12 =	vadd.s32 $0x2800, v5;
	[tilespmem:v2+s17+$0x0] =	vst.idx.add.f32.msk $0xffff, v1;
	v2 =	vunpack.i.u.bf16.f32 v3  }
0x78: {  	v3 =	vunpack.i.l.bf16.f32 v11;
	v1 =	vadd.s32 $0x5000, v5;
	[tilespmem:v7+s17+$0x0] =	vst.idx.add.f32.msk $0xffff, v6  }
.Ltmp6:
0x79: {  	[tilespmem:v4+s17+$0x0] =	vst.idx.add.f32.msk $0xffff, v2;
	v4 =	vunpack.i.u.bf16.f32 v11;
	v2 =	vadd.s32 $0x7800, v5;
	(pc) =	sbr.rel @p0 .LBB2_6-.Ltmp6, $4  }
0x7a: {  	[tilespmem:v8+s17+$0x0] =	vst.idx.add.f32.msk $0xffff, v3;
	v3 =	vunpack.i.l.bf16.f32 v13  }
0x7b: {  	[tilespmem:v10+s17+$0x0] =	vst.idx.add.f32.msk $0xffff, v4;
	v4 =	vunpack.i.u.bf16.f32 v13  }
0x7c: {  	[tilespmem:v5+s17+$0x0] =	vst.idx.add.f32.msk $0xffff, v3;
	v3 =	vunpack.i.l.bf16.f32 v9  }
0x7d: {  	[tilespmem:v12+s17+$0x0] =	vst.idx.add.f32.msk $0xffff, v4;
	v4 =	vunpack.i.u.bf16.f32 v9  }
0x7e: {  	p0 =	seq.s32 s23, $0x0  }
.Ltmp7:
0x7f: {  	_ = 	snop;
	(pc) =	sbr.rel @p0 .LBB2_11-.Ltmp7, $3  }
0x80: {  	_ =	sdelay $0x1  }
0x81: {  	[tilespmem:v1+s17+$0x0] =	vst.idx.add.f32.msk $0xffff, v3  }
0x82: {  	[tilespmem:v2+s17+$0x0] =	vst.idx.add.f32.msk $0xffff, v4  }
.LBB2_8:
0x83: {  	_ =	swait.ge [sflag:s16], $0x1000  }
0x84: {  	[sflag:s16] =	ssyncset.done $0x0  }
0x85: {  	p0 =	seq.s32 s22, $0x4F;
	[sflag:s16] =	ssyncadd.s32 $0xFFFFF000  }
0x86: {  	s23 =	sshll.u32 @!p0 s22, $0xC;
	_ =	swait.ge [sflag:s16], $0x1000  }
0x87: {  	s23 =	sadd.s32 @!p0 $0x1000, s23;
	[sflag:s16] =	ssyncset.done $0x0  }
0x88: {  	s25 =	simm.s32 @!p0 $0xF000;
	s24 =	sadd.s32 @!p0 s23, s2;
	[sflag:s16] =	ssyncadd.s32 $0xFFFFF000  }
0x89: {  	[tilespmem:s25], [sflag:$0x1] =	stream.linear.gather @!p0 [spmem:s24], $0x1000, $0x38;
	[tilespmem:$0x1D000] =	vst v63  }
0x8a: {  	s31 =	simm.s32 $0x0;
	s23 =	sadd.s32 @!p0 s23, s3;
	s24 =	simm.s32 @!p0 $0x11000  }
0x8b: {  	[tilespmem:s24], [sflag:$0x1] =	stream.linear.gather @!p0 [spmem:s23], $0x1000, $0x38;
	[tilespmem:$0x1D000] =	vst v63  }
0x8c: {  	v1 =	vld [tilespmem:s31+$0x10000]  }
0x8d: {  	v2 =	vld [tilespmem:s31+$0x10030]  }
0x8e: {  	v3 =	vld [tilespmem:s31+$0x10020]  }
0x8f: {  	v4 =	vld [tilespmem:s31+$0x10010]  }
0x90: {  	v5 =	vld [tilespmem:s31+$0x12030]  }
0x91: {  	v7 =	vld [tilespmem:s31+$0x12020]  }
0x92: {  	v8 =	vld [tilespmem:s31+$0x12000]  }
0x93: {  	v9 =	vld [tilespmem:s31+$0x12010];
	v6 =	vadd.s32 $0x2800, v1  }
0x94: {  	v10 =	vadd.s32 $0x2800, v3;
	v1 =	vld.idx.msk [tilespmem:v1+s4+$0x0], $0xffff  }
0x95: {  	v11 =	vadd.s32 $0x2800, v4;
	v12 =	vld.idx.msk [tilespmem:v2+s4+$0x0], $0xffff  }
0x96: {  	v2 =	vadd.s32 $0x2800, v2;
	v3 =	vld.idx.msk [tilespmem:v3+s4+$0x0], $0xffff  }
0x97: {  	v4 =	vld.idx.msk [tilespmem:v4+s4+$0x0], $0xffff  }
0x98: {  	v13 =	vadd.s32 $0x2800, v8;
	v6 =	vld.idx.msk [tilespmem:v6+s4+$0x0], $0xffff  }
0x99: {  	v14 =	vadd.s32 $0x5000, v8;
	v10 =	vld.idx.msk [tilespmem:v10+s4+$0x0], $0xffff  }
0x9a: {  	v15 =	vadd.s32 $0x7800, v8;
	v11 =	vld.idx.msk [tilespmem:v11+s4+$0x0], $0xffff  }
0x9b: {  	v16 =	vunpack.i.l.bf16.f32 v1;
	v17 =	vld.idx.msk [tilespmem:v2+s4+$0x0], $0xffff  }
0x9c: {  	v1 =	vunpack.i.u.bf16.f32 v1;
	v2 =	vadd.s32 $0x2800, v9;
	[tilespmem:v8+s17+$0x0] =	vst.idx.add.f32.msk $0xffff, v16  }
0x9d: {  	v59 =	vadd.s32 $0x5000, v9;
	v58 =	vunpack.i.l.bf16.f32 v6;
	[tilespmem:v13+s17+$0x0] =	vst.idx.add.f32.msk $0xffff, v1  }
0x9e: {  	v1 =	vunpack.i.u.bf16.f32 v6;
	v6 =	vadd.s32 $0x7800, v9;
	[tilespmem:v14+s17+$0x0] =	vst.idx.add.f32.msk $0xffff, v58  }
0x9f: {  	v60 =	vunpack.i.l.bf16.f32 v4;
	[tilespmem:v15+s17+$0x0] =	vst.idx.add.f32.msk $0xffff, v1  }
0xa0: {  	v1 =	vunpack.i.u.bf16.f32 v4;
	v4 =	vadd.s32 $0x2800, v7;
	[tilespmem:v9+s17+$0x0] =	vst.idx.add.f32.msk $0xffff, v60  }
0xa1: {  	v62 =	vadd.s32 $0x5000, v7;
	v61 =	vunpack.i.l.bf16.f32 v11;
	[tilespmem:v2+s17+$0x0] =	vst.idx.add.f32.msk $0xffff, v1  }
0xa2: {  	v1 =	vunpack.i.u.bf16.f32 v11;
	v2 =	vadd.s32 $0x7800, v7;
	[tilespmem:v59+s17+$0x0] =	vst.idx.add.f32.msk $0xffff, v61  }
0xa3: {  	v63 =	vunpack.i.l.bf16.f32 v3;
	[tilespmem:v6+s17+$0x0] =	vst.idx.add.f32.msk $0xffff, v1  }
0xa4: {  	v1 =	vunpack.i.u.bf16.f32 v3;
	[tilespmem:v7+s17+$0x0] =	vst.idx.add.f32.msk $0xffff, v63  }
0xa5: {  	v3 =	vunpack.i.l.bf16.f32 v10;
	[tilespmem:v4+s17+$0x0] =	vst.idx.add.f32.msk $0xffff, v1  }
0xa6: {  	v6 =	vadd.s32 $0x2800, v5;
	v1 =	vunpack.i.u.bf16.f32 v10;
	[tilespmem:v62+s17+$0x0] =	vst.idx.add.f32.msk $0xffff, v3  }
0xa7: {  	[tilespmem:v2+s17+$0x0] =	vst.idx.add.f32.msk $0xffff, v1;
	v1 =	vadd.s32 $0x5000, v5  }
0xa8: {  	v2 =	vadd.s32 $0x7800, v5  }
0xa9: {  	v3 =	vunpack.i.l.bf16.f32 v12  }
0xaa: {  	v4 =	vunpack.i.u.bf16.f32 v12;
	[tilespmem:v5+s17+$0x0] =	vst.idx.add.f32.msk $0xffff, v3  }
0xab: {  	s23 =	simm.s32 $0x100;
	v3 =	vunpack.i.l.bf16.f32 v17;
	[tilespmem:v6+s17+$0x0] =	vst.idx.add.f32.msk $0xffff, v4;
	v4 =	vunpack.i.u.bf16.f32 v17  }
.LBB2_9:
0xac: {  	s24 =	sshra.s32 s23, $0x2;
	p0 =	sne.s32 s23, $0x3F00;
	s23 =	sadd.s32 $0x100, s23;
	[tilespmem:v1+s17+$0x0] =	vst.idx.add.f32.msk $0xffff, v3  }
0xad: {  	[tilespmem:v2+s17+$0x0] =	vst.idx.add.f32.msk $0xffff, v4  }
0xae: {  	v1 =	vld [tilespmem:s24+$0x10000]  }
0xaf: {  	v2 =	vld [tilespmem:s24+$0x10030]  }
0xb0: {  	v3 =	vld [tilespmem:s24+$0x10020]  }
0xb1: {  	v4 =	vld [tilespmem:s24+$0x10010]  }
0xb2: {  	v5 =	vld [tilespmem:s24+$0x12030]  }
0xb3: {  	v6 =	vadd.s32 $0x2800, v1;
	v7 =	vld [tilespmem:s24+$0x12020]  }
0xb4: {  	v8 =	vld [tilespmem:s24+$0x12000];
	v9 =	vadd.s32 $0x2800, v2  }
0xb5: {  	v10 =	vld [tilespmem:s24+$0x12010];
	v11 =	vadd.s32 $0x2800, v3  }
0xb6: {  	v1 =	vld.idx.msk [tilespmem:v1+s4+$0x0], $0xffff;
	v12 =	vadd.s32 $0x2800, v4  }
0xb7: {  	v13 =	vld.idx.msk [tilespmem:v2+s4+$0x0], $0xffff  }
0xb8: {  	v2 =	vld.idx.msk [tilespmem:v6+s4+$0x0], $0xffff  }
0xb9: {  	v3 =	vld.idx.msk [tilespmem:v3+s4+$0x0], $0xffff;
	v6 =	vadd.s32 $0x2800, v8  }
0xba: {  	v14 =	vadd.s32 $0x5000, v8;
	v4 =	vld.idx.msk [tilespmem:v4+s4+$0x0], $0xffff  }
0xbb: {  	v15 =	vadd.s32 $0x7800, v8;
	v11 =	vld.idx.msk [tilespmem:v11+s4+$0x0], $0xffff  }
0xbc: {  	v16 =	vunpack.i.l.bf16.f32 v1;
	v12 =	vld.idx.msk [tilespmem:v12+s4+$0x0], $0xffff  }
0xbd: {  	v17 =	vadd.s32 $0x2800, v10;
	v1 =	vunpack.i.u.bf16.f32 v1;
	v9 =	vld.idx.msk [tilespmem:v9+s4+$0x0], $0xffff  }
0xbe: {  	[tilespmem:v8+s17+$0x0] =	vst.idx.add.f32.msk $0xffff, v16;
	v8 =	vunpack.i.l.bf16.f32 v2;
	v16 =	vadd.s32 $0x5000, v10  }
0xbf: {  	[tilespmem:v6+s17+$0x0] =	vst.idx.add.f32.msk $0xffff, v1;
	v1 =	vunpack.i.u.bf16.f32 v2;
	v2 =	vadd.s32 $0x7800, v10  }
0xc0: {  	v6 =	vunpack.i.l.bf16.f32 v4;
	[tilespmem:v14+s17+$0x0] =	vst.idx.add.f32.msk $0xffff, v8  }
0xc1: {  	[tilespmem:v15+s17+$0x0] =	vst.idx.add.f32.msk $0xffff, v1;
	v1 =	vunpack.i.u.bf16.f32 v4;
	v4 =	vadd.s32 $0x2800, v7  }
0xc2: {  	v8 =	vadd.s32 $0x5000, v7;
	[tilespmem:v10+s17+$0x0] =	vst.idx.add.f32.msk $0xffff, v6;
	v6 =	vunpack.i.l.bf16.f32 v12  }
0xc3: {  	v10 =	vadd.s32 $0x7800, v7;
	[tilespmem:v17+s17+$0x0] =	vst.idx.add.f32.msk $0xffff, v1;
	v1 =	vunpack.i.u.bf16.f32 v12  }
0xc4: {  	[tilespmem:v16+s17+$0x0] =	vst.idx.add.f32.msk $0xffff, v6;
	v6 =	vunpack.i.l.bf16.f32 v3  }
0xc5: {  	v12 =	vadd.s32 $0x2800, v5;
	[tilespmem:v2+s17+$0x0] =	vst.idx.add.f32.msk $0xffff, v1;
	v2 =	vunpack.i.u.bf16.f32 v3  }
0xc6: {  	v3 =	vunpack.i.l.bf16.f32 v11;
	v1 =	vadd.s32 $0x5000, v5;
	[tilespmem:v7+s17+$0x0] =	vst.idx.add.f32.msk $0xffff, v6  }
.Ltmp8:
0xc7: {  	[tilespmem:v4+s17+$0x0] =	vst.idx.add.f32.msk $0xffff, v2;
	v4 =	vunpack.i.u.bf16.f32 v11;
	v2 =	vadd.s32 $0x7800, v5;
	(pc) =	sbr.rel @p0 .LBB2_9-.Ltmp8, $4  }
0xc8: {  	[tilespmem:v8+s17+$0x0] =	vst.idx.add.f32.msk $0xffff, v3;
	v3 =	vunpack.i.l.bf16.f32 v13  }
0xc9: {  	[tilespmem:v10+s17+$0x0] =	vst.idx.add.f32.msk $0xffff, v4;
	v4 =	vunpack.i.u.bf16.f32 v13  }
0xca: {  	[tilespmem:v5+s17+$0x0] =	vst.idx.add.f32.msk $0xffff, v3;
	v3 =	vunpack.i.l.bf16.f32 v9  }
0xcb: {  	[tilespmem:v12+s17+$0x0] =	vst.idx.add.f32.msk $0xffff, v4;
	v4 =	vunpack.i.u.bf16.f32 v9  }
0xcc: {  	_ = 	snop  }
.Ltmp9:
0xcd: {  	_ = 	snop;
	(pc) =	sbr.rel .LBB2_11-.Ltmp9, $3  }
0xce: {  	_ =	sdelay $0x1  }
0xcf: {  	[tilespmem:v1+s17+$0x0] =	vst.idx.add.f32.msk $0xffff, v3  }
0xd0: {  	[tilespmem:v2+s17+$0x0] =	vst.idx.add.f32.msk $0xffff, v4  }
.LBB2_13:
0xd1: {  	_ =	sfence.sel $0x180000  }
0xd2: {  	[bflag:$0x0] =	sbarrier.arrive $0xFFFF  }
0xd3: {  	p0 =	sne.s32 s0, $0x0;
	_ =	strace $0x9000004D  }
0xd4: {  	s0 =	sadd.s32 @!p0 $0x100000, s1;
	[bflag:$0x2] =	sbarrier.arrive $0xFFFF  }
0xd5: {  	[sflag:s0] =	ssyncadd.tile.s32 @!p0 $0x1;
	_ =	shalt  }
.Lfunc_end2:
_tile_overlayer_lowered:
.L_overlay_start_2:
0xd6: {  	(tag) =	ssettag $0x2  }
0xd7: {  	s0 =	rddreg [dreg:$0x0];
	s2 =	stileid.u32  }
0xd8: {  	s1 =	rddreg [dreg:$0x1];
	p0 =	sne.s32 s2, $0x0  }
0xd9: {  	s3 =	rddreg [dreg:$0x2];
	[bflag:$0x3] =	sbarrier.arrive $0xFFFF;
	s2 =	simm.s32 @!p0 $0x1C03  }
0xda: {  	[timem:s3], [sflag:s2] =	dma.local @!p0 [hbm:s0], s1  }
0xdb: {  	s0 =	simm.s32 @!p0 $0x3  }
0xdc: {  	_ =	swait.ge @!p0 [sflag:s0], s1  }
0xdd: {  	s1 =	ssub.s32 @!p0 $0x0, s1;
	[sflag:s0] =	ssyncset.done @!p0 $0x0  }
0xde: {  	[sflag:s0] =	ssyncadd.s32 @!p0 s1  }
0xdf: {  	[bflag:$0x3] =	sbarrier.arrive $0xFFFF  }
0xe0: {  	_ =	shalt  }

// kernel: kernel.8.cloned.1.call-start
scs
__scs_entry_jumppad:
0x0: {  	(pc) =	sbr.rel $0x88, $3  }
0x1: {  	(tag) =	ssettag $0x0;
	lr =	simm.s32 $0x1  }
0x2: {  	[smem:$0x3F98] =	sst lr;
	_ =	strace $0xD0000000  }
0x3: {  	_ = 	snop  }
0x4: {  	_ = 	snop  }
0x5: {  	_ = 	snop  }
0x6: {  	_ = 	snop  }
0x7: {  	_ = 	snop  }
__scs_overlays_trampoline_lowered:
0x8: {  	[smem:$0x3FA7] =	sst s0  }
0x9: {  	[smem:$0x3FA8] =	sst s1  }
0xa: {  	[smem:$0x3FA9] =	sst s2  }
0xb: {  	[smem:$0x3FAA] =	sst s3  }
0xc: {  	[smem:$0x3FAB] =	sst s4  }
0xd: {  	[smem:$0x3FAC] =	sst s5  }
0xe: {  	[smem:$0x3FAD] =	sst s6  }
0xf: {  	[smem:$0x3FAE] =	sst s7  }
0x10: {  	[smem:$0x3FAF] =	sst s8  }
0x11: {  	[smem:$0x3FB0] =	sst s9;
	s0 =	simm.s32 @!p0 $0x0  }
0x12: {  	s1 =	sld [smem:$0x3F96];
	s0 =	simm.s32 @p0 $0x1  }
0x13: {  	[smem:$0x3FB1] =	sst s0;
	s0 =	simm.s32 @!p1 $0x0  }
0x14: {  	s2 =	sld [smem:$0x3F95];
	s0 =	simm.s32 @p1 $0x1  }
0x15: {  	[smem:$0x3FB2] =	sst s0;
	s0 =	simm.s32 @!p2 $0x0  }
0x16: {  	s3 =	sld [smem:$0x3FDB];
	s0 =	simm.s32 @p2 $0x1  }
0x17: {  	s4 =	simm.s32 $0x1BF5;
	[smem:$0x3FB4] =	sst s0  }
0x18: {  	s0 =	sld [smem:$0x3F97];
	_ =	swait.ge [sflag:s4], $0x0  }
0x19: {  	s7 =	sld [smem:$0x3F98]  }
0x1a: {  	s8 =	sadd.s32 $0xFFFFE003, lr  }
0x1b: {  	s9 =	sadd.s32 $0xFFFFFEF7, lr;
	s5 =	simm.s32 $0xFFFFFFFF;
	p2 =	slt.u32 s8, $0xFFFFF086  }
0x1c: {  	p1 =	slt.u32 s9, $0xF7A;
	s5 =	simm.s32 @!p2 $0x0  }
0x1d: {  	s5 =	simm.s32 @p1 $0x1;
	p0 =	seq.s32 s7, s2  }
0x1e: {  	s7 =	smul.u32 @!p0 $0xF7A, s2;
	p2 =	seq.s32 @!p0 s5, $0x0  }
0x1f: {  	s9 =	smul.u32 $0xF7A, s1;
	s8 =	simm.s32 @!p0 $0x1BF5;
	p2 =	por !p2, p0  }
0x20: {  	[sflag:s8] =	ssyncset.s32 @!p0 $0xFFFFF086;
	s6 =	sadd.s32 @!p0 s3, s7;
	s7 =	simm.s32 @!p0 $0x108  }
0x21: {  	s3 =	sadd.s32 s3, s9;
	s6 =	sadd.s32 @!p0 $0x88, s6;
	s7 =	simm.s32 @p2 $0x1082  }
0x22: {  	[simem:s7], [sflag:s8] =	dma.local @!p0 [hbm:s6], $0xF7A  }
0x23: {  	s9 =	sor.u32 $0xD0000000, s2;
	s6 =	simm.s32 $0x108;
	_ =	swait.ge @!p0 [sflag:s8], $0x0  }
0x24: {  	s3 =	sadd.s32 $0x88, s3;
	s6 =	simm.s32 @!p1 $0x1082;
	[sflag:s4] =	ssyncset.s32 $0xFFFFF086  }
0x25: {  	[simem:s6], [sflag:s4] =	dma.local [hbm:s3], $0xF7A  }
0x26: {  	[smem:$0x3F98] =	sst s1;
	(tag) =	ssettag s2;
	_ =	strace s9  }
0x27: {  	s1 =	sld [smem:$0x3FA8]  }
0x28: {  	s2 =	sld [smem:$0x3FA9]  }
0x29: {  	s4 =	sld [smem:$0x3FAB]  }
0x2a: {  	p0 =	seq.s32 s5, $0x0;
	s5 =	sld [smem:$0x3FAC]  }
0x2b: {  	s6 =	sld [smem:$0x3FAD]  }
0x2c: {  	s7 =	sld [smem:$0x3FAE]  }
0x2d: {  	s3 =	simm.s32 $0x108;
	s8 =	sld [smem:$0x3FAF]  }
0x2e: {  	s3 =	simm.s32 @!p0 $0x1082;
	s9 =	sld [smem:$0x3FB0]  }
0x2f: {  	lr =	sadd.s32 s0, s3;
	s0 =	sld [smem:$0x3FA7]  }
0x30: {  	s3 =	sld [smem:$0x3FAA]  }
0x31: {  	[smem:$0x3FB3] =	sst s10  }
0x32: {  	s10 =	sld [smem:$0x3FB1];
	_ =	sdelay $0x3  }
0x33: {  	p0 =	seq.s32 s10, $0x1;
	s10 =	sld [smem:$0x3FB3];
	_ =	sdelay $0x3  }
0x34: {  	[smem:$0x3FB3] =	sst s10  }
0x35: {  	s10 =	sld [smem:$0x3FB2];
	_ =	sdelay $0x3  }
0x36: {  	p1 =	seq.s32 s10, $0x1;
	s10 =	sld [smem:$0x3FB3];
	_ =	sdelay $0x3  }
0x37: {  	[smem:$0x3FB3] =	sst s10  }
0x38: {  	s10 =	sld [smem:$0x3FB4]  }
0x39: {  	_ = 	snop;
	(pc) =	sbr.ind lr, $3  }
0x3a: {  	_ = 	snop  }
0x3b: {  	_ = 	snop  }
0x3c: {  	p2 =	seq.s32 s10, $0x1;
	s10 =	sld [smem:$0x3FB3]  }
0x3d: {  	_ =	shalt  }
0x3e: {  	_ =	shalt  }
0x3f: {  	_ =	shalt  }
0x40: {  	_ =	shalt  }
0x41: {  	_ =	shalt  }
0x42: {  	_ =	shalt  }
0x43: {  	_ =	shalt  }
0x44: {  	_ =	shalt  }
0x45: {  	_ =	shalt  }
0x46: {  	_ =	shalt  }
0x47: {  	_ =	shalt  }
0x48: {  	_ =	shalt  }
0x49: {  	_ =	shalt  }
0x4a: {  	_ =	shalt  }
0x4b: {  	_ =	shalt  }
0x4c: {  	_ =	shalt  }
0x4d: {  	_ =	shalt  }
0x4e: {  	_ =	shalt  }
0x4f: {  	_ =	shalt  }
0x50: {  	_ =	shalt  }
0x51: {  	_ =	shalt  }
0x52: {  	_ =	shalt  }
0x53: {  	_ =	shalt  }
0x54: {  	_ =	shalt  }
0x55: {  	_ =	shalt  }
0x56: {  	_ =	shalt  }
0x57: {  	_ =	shalt  }
0x58: {  	_ =	shalt  }
0x59: {  	_ =	shalt  }
0x5a: {  	_ =	shalt  }
0x5b: {  	_ =	shalt  }
0x5c: {  	_ =	shalt  }
0x5d: {  	_ =	shalt  }
0x5e: {  	_ =	shalt  }
0x5f: {  	_ =	shalt  }
0x60: {  	_ =	shalt  }
0x61: {  	_ =	shalt  }
0x62: {  	_ =	shalt  }
0x63: {  	_ =	shalt  }
0x64: {  	_ =	shalt  }
0x65: {  	_ =	shalt  }
0x66: {  	_ =	shalt  }
0x67: {  	_ =	shalt  }
0x68: {  	_ =	shalt  }
0x69: {  	_ =	shalt  }
0x6a: {  	_ =	shalt  }
0x6b: {  	_ =	shalt  }
0x6c: {  	_ =	shalt  }
0x6d: {  	_ =	shalt  }
0x6e: {  	_ =	shalt  }
0x6f: {  	_ =	shalt  }
0x70: {  	_ =	shalt  }
0x71: {  	_ =	shalt  }
0x72: {  	_ =	shalt  }
0x73: {  	_ =	shalt  }
0x74: {  	_ =	shalt  }
0x75: {  	_ =	shalt  }
0x76: {  	_ =	shalt  }
0x77: {  	_ =	shalt  }
0x78: {  	_ =	shalt  }
0x79: {  	_ =	shalt  }
0x7a: {  	_ =	shalt  }
0x7b: {  	_ =	shalt  }
0x7c: {  	_ =	shalt  }
0x7d: {  	_ =	shalt  }
0x7e: {  	_ =	shalt  }
0x7f: {  	_ =	shalt  }
0x80: {  	_ =	shalt  }
0x81: {  	_ =	shalt  }
0x82: {  	_ =	shalt  }
0x83: {  	_ =	shalt  }
0x84: {  	_ =	shalt  }
0x85: {  	_ =	shalt  }
0x86: {  	_ =	shalt  }
0x87: {  	_ =	shalt  }
.Lfunc_end0:
.L_simem_size_0:
called_computation_lowered:
.L_overlay_start_0:
0x88: {  	s2 =	sld [smem:$0x3FD9]  }
0x89: {  	s3 =	sld [smem:$0x3FFE];
	_ =	sdelay $0x1  }
0x8a: {  	s1 =	srdreg.scid  }
0x8b: {  	s0 =	sand.u32 $0x1, s1  }
0x8c: {  	s16 =	sshll.u32 s0, $0xA;
	s2 =	sadd.s32 s3, s2  }
0x8d: {  	s2 =	sadd.s32 s2, s16  }
0x8e: {  	[smem:$0x3FBF] =	sst s2  }
0x8f: {  	_ = 	snop  }
0x90: {  	(tm) =	ssettm $0x1  }
0x91: {  	s17 =	sld [smem:$0x3FFB];
	_ =	sdelay $0x3  }
0x92: {  	_ =	strace s17  }
0x93: {  	s2 =	sld [smem:$0x3FFC];
	_ =	sdelay $0x3  }
0x94: {  	_ =	strace s2  }
0x95: {  	s2 =	sld [smem:$0x3FFD];
	_ =	sdelay $0x3  }
0x96: {  	_ =	strace s2  }
0x97: {  	_ =	strace $0x8FFFFFFF  }
0x98: {  	s18 =	sld [smem:$0x3FDB];
	_ =	sdelay $0x1  }
0x99: {  	s19 =	simm.s32 $_scs_section_size  }
0x9a: {  	s4 =	simm.s32 $_size__tile_overlayer_lowered;
	s5 =	simm.s32 $_tile_overlayer_lowered  }
0x9b: {  	s22 =	simm.s32 $0x1BFF;
	s21 =	sshll.u32 s5, $0x1;
	s2 =	sadd.s32 s19, s18  }
0x9c: {  	s6 =	simm.s32 $0x0;
	s20 =	sshll.u32 s4, $0x1;
	s4 =	sadd.s32 s21, s2  }
0x9d: {  	[timem:s6], [sflag:s22] =	dma.local [hbm:s4], s20  }
0x9e: {  	_ =	swait.ge [sflag:s22], s20  }
0x9f: {  	s3 =	ssub.s32 $0x0, s20;
	[sflag:s22] =	ssyncset.done $0x0  }
0xa0: {  	[sflag:s22] =	ssyncadd.s32 s3;
	_ =	sdelay $0x1  }
0xa1: {  	s23 =	simm.s32 $0x1B8B  }
0xa2: {  	_ =	swait.ge [sflag:s23], $0x1  }
0xa3: {  	[sflag:s23] =	ssyncset.done $0x0  }
0xa4: {  	s25 =	simm.s32 $0x1B8E;
	s24 =	sld [smem:$0x3FFE];
	[sflag:s23] =	ssyncadd.s32 $0xFFFFFFFF  }
0xa5: {  	s26 =	simm.s32 $execute0_lowered;
	[smem:$0x3FD2] =	sst s25  }
0xa6: {  	s4 =	sshll.u32 s26, $0x1;
	_ =	strace $0x80000046;
	[dreg:$0x1] =	wrdreg $0xFFFFFFFF  }
0xa7: {  	s28 =	simm.s32 $_size_execute0_lowered;
	s2 =	sadd.s32 s2, s4;
	[dreg:$0x0] =	wrdreg $0x0  }
0xa8: {  	s4 =	sshll.u32 s28, $0x1;
	[dreg:$0x2] =	wrdreg s2  }
0xa9: {  	[dreg:$0x3] =	wrdreg s4  }
0xaa: {  	[dreg:$0x4] =	wrdreg $0xC0  }
0xab: {  	_ =	task [dreg:s6], $0x5FFFF  }
0xac: {  	[dreg:$0x1] =	wrdreg $0xFFFFFFFF  }
0xad: {  	[dreg:$0x0] =	wrdreg $0x60  }
0xae: {  	[dreg:$0x2] =	wrdreg s24  }
0xaf: {  	[dreg:$0x3] =	wrdreg $0x2B000  }
0xb0: {  	[dreg:$0x4] =	wrdreg $0x9  }
0xb1: {  	_ =	task.clear_ibuf [dreg:s6], $0x5FFFF;
	_ =	strace $0x90000046  }
0xb2: {  	s29 =	simm.s32 $0x9;
	_ =	strace $0x80000048  }
0xb3: {  	_ =	swait.ge [sflag:s29], $0x1  }
0xb4: {  	[sflag:s29] =	ssyncadd.s32 $0xFFFFFFFF  }
0xb5: {  	_ =	strace $0x90000048  }
0xb6: {  	_ =	sfence  }
0xb7: {  	s30 =	sld [smem:$0x0];
	_ =	sdelay $0x2  }
0xb8: {  	s31 =	sshll.u32 s1, $0xD;
	s1 =	sshrl.u32 s1, $0x2  }
0xb9: {  	s3 =	sand.u32 $0x4000, s31;
	s1 =	sadd.s32 s1, s30  }
0xba: {  	s0 =	sor.u32 s3, s0;
	s1 =	sshll.u32 s1, $0x11  }
0xbb: {  	s0 =	sor.u32 s1, s0  }
0xbc: {  	s0 =	sadd.s32 $0x8F2B, s0  }
0xbd: {  	[sflag:s0] =	ssyncadd.remote.s32 $0x1  }
0xbe: {  	_ =	sfence.sel $0xFFFF  }
0xbf: {  	[dreg:$0x0] =	wrdreg $0xFFFFFFFF;
	(pc) =	sbr.abs _section_cstart, $3  }
0xc0: {  	[dreg:$0x1] =	wrdreg $0xFFFFFFFF  }
0xc1: {  	_ =	task.clear_ibuf [dreg:s6], $0x2FFFF;
	_ =	strace $0x9FFFFFFF  }
0xc2: {  	(tm) =	ssettm $0x7FFFFFFF  }
0xc3: {  	_ =	shalt  }
tec
execute0_lowered:
.L_overlay_start_1:
0x0: {  	(tag) =	ssettag $0x1  }
0x1: {  	s4 =	rddreg [dreg:$0x0];
	s0 =	srdreg.scid  }
0x2: {  	s2 =	rddreg [dreg:$0x1];
	s1 =	stileid.u32  }
0x3: {  	s3 =	simm.s32 $0x0;
	s10 =	simm.s32 $0x80;
	s11 =	simm.s32 $0x2800  }
0x4: {  	s12 =	simm.s32 $0x1;
	s5 =	sand.u32 $0x1, s0;
	s0 =	rddreg [dreg:$0x2]  }
0x5: {  	s15 =	simm.s32 $0x0;
	s7 =	smul.u32 $0x280, s1;
	[smem:$0x7FF] =	sst s3  }
0x6: {  	s13 =	sshll.u32 s1, $0x6;
	s6 =	sshll.u32 s5, $0x4;
	s8 =	smul.u32 $0x2800, s5  }
0x7: {  	_ =	strace $0x80000047;
	s5 =	ssub.s32 $0x2, s5;
	s6 =	sor.u32 s1, s6  }
0x8: {  	s9 =	sshrl.u32 s5, $0x1;
	s6 =	smul.u32 $0x500, s6;
	s8 =	sadd.s32 s7, s8  }
0x9: {  	s13 =	sor.u32 $0x1C02, s13;
	s9 =	ssub.s32 s5, s9;
	s8 =	sshrl.u32 s8, $0x3  }
0xa: {  	s6 =	sadd.s32 s6, s4;
	s8 =	sadd.s32 s8, s4;
	s4 =	sadd.s32 s7, s2  }
0xb: {  	s7 =	smax.u32 s9, $0x1;
	s9 =	simm.s32 $0x2;
	s5 =	sadd.s32 $0x400, s6  }
0xc: {  	v0 =	vimm.f32 $1.000000000e+00;
	v1 =	vimm.f32 $0.0e+00;
	s6 =	sadd.s32 $0xA400, s8;
	s8 =	simm.s32 $0x2880;
	s14 =	sshrl.u32 s4, $0x3  }
.LBB2_1:
0xd: {  	[tilespmem:$0x2800] =	vst v0  }
0xe: {  	[tilespmem:$0x2810] =	vst v0  }
0xf: {  	[tilespmem:$0x2820] =	vst v0  }
0x10: {  	[tilespmem:$0x2830] =	vst v0  }
0x11: {  	[tilespmem:$0x2840] =	vst v0  }
0x12: {  	[tilespmem:$0x2850] =	vst v0  }
0x13: {  	[tilespmem:$0x2860] =	vst v0  }
0x14: {  	[tilespmem:$0x2870] =	vst v0  }
0x15: {  	[tilespmem:$0x2880] =	vst v1  }
0x16: {  	[tilespmem:$0x2890] =	vst v1  }
0x17: {  	[tilespmem:$0x28A0] =	vst v1  }
0x18: {  	[tilespmem:$0x28B0] =	vst v1  }
0x19: {  	[tilespmem:$0x28C0] =	vst v1  }
0x1a: {  	[tilespmem:$0x28D0] =	vst v1  }
0x1b: {  	[tilespmem:$0x28E0] =	vst v1  }
0x1c: {  	[tilespmem:$0x28F0] =	vst v1  }
0x1d: {  	[tilespmem:$0x2900] =	vst v1  }
0x1e: {  	[tilespmem:$0x2910] =	vst v1  }
0x1f: {  	[tilespmem:$0x2920] =	vst v1  }
0x20: {  	[tilespmem:$0x2930] =	vst v1  }
0x21: {  	[tilespmem:$0x2940] =	vst v1  }
0x22: {  	[tilespmem:$0x2950] =	vst v1  }
0x23: {  	[tilespmem:$0x2960] =	vst v1  }
0x24: {  	[tilespmem:$0x2970] =	vst v1  }
0x25: {  	[tilespmem:$0x2980] =	vst v1  }
0x26: {  	[tilespmem:$0x2990] =	vst v1  }
0x27: {  	[tilespmem:$0x29A0] =	vst v1  }
0x28: {  	[tilespmem:$0x29B0] =	vst v1  }
0x29: {  	[tilespmem:$0x29C0] =	vst v1  }
0x2a: {  	[tilespmem:$0x29D0] =	vst v1  }
0x2b: {  	[tilespmem:$0x29E0] =	vst v1  }
0x2c: {  	[tilespmem:$0x29F0] =	vst v1  }
0x2d: {  	[tilespmem:$0x2A00] =	vst v1  }
0x2e: {  	[tilespmem:$0x2A10] =	vst v1  }
0x2f: {  	[tilespmem:$0x2A20] =	vst v1  }
0x30: {  	[tilespmem:$0x2A30] =	vst v1  }
0x31: {  	[tilespmem:$0x2A40] =	vst v1  }
0x32: {  	[tilespmem:$0x2A50] =	vst v1  }
0x33: {  	[tilespmem:$0x2A60] =	vst v1  }
0x34: {  	[tilespmem:$0x2A70] =	vst v1  }
0x35: {  	[tilespmem:$0x2A80] =	vst v1  }
0x36: {  	[tilespmem:$0x2A90] =	vst v1  }
0x37: {  	[tilespmem:$0x2AA0] =	vst v1  }
0x38: {  	[tilespmem:$0x2AB0] =	vst v1  }
0x39: {  	[tilespmem:$0x2AC0] =	vst v1  }
0x3a: {  	[tilespmem:$0x2AD0] =	vst v1  }
0x3b: {  	[tilespmem:$0x2AE0] =	vst v1  }
0x3c: {  	[tilespmem:$0x2AF0] =	vst v1  }
0x3d: {  	[spmem:s4] =	stream.linear.scatter [tilespmem:s8], [sflag:$0x2], $0x280, $0x38;
	[tilespmem:$0x2D80] =	vst v63  }
0x3e: {  	_ =	swait.ge [sflag:s9], $0x280  }
0x3f: {  	[sflag:s9] =	ssyncset.done $0x0  }
0x40: {  	[sflag:s9] =	ssyncadd.s32 $0xFFFFFD80  }
0x41: {  	[tilespmem:s3], [sflag:$0x2] =	stream.linear.gather [hbm4b:s5+s3], $0x2800, $0x38;
	[tilespmem:$0x2D80] =	vst v63  }
0x42: {  	_ =	swait.ge [sflag:s9], $0x2800  }
0x43: {  	[sflag:s9] =	ssyncset.done $0x0  }
0x44: {  	[sflag:s9] =	ssyncadd.s32 $0xFFFFD800  }
0x45: {  	s16 =	simm.s32 $0x0;
	[bflag:$0x0] =	sbarrier.arrive $0xFFFF  }
.LBB2_2:
0x46: {  	p0 =	sne.s32 s16, $0x9E00  }
.Ltmp0:
0x47: {  	_ = 	snop;
	(pc) =	sbr.rel @p0 .LBB2_2-.Ltmp0, $3  }
0x48: {  	_ =	sdelay $0x1  }
0x49: {  	s17 =	sshra.s32 s16, $0x2;
	s16 =	sadd.s32 $0x200, s16  }
0x4a: {  	[spmem:s2] =	stream.indirect.scatter.add.f32 [tilespmem:s11], [sflag:$0x1], $0x1, s17, s10, $0xb8;
	[tilespmem:$0x2D80] =	vst v63  }
0x4b: {  	_ =	swait.ge [sflag:s12], $0x80  }
0x4c: {  	s16 =	simm.s32 $0x4F;
	[sflag:s12] =	ssyncset.done $0x0  }
.LBB2_4:
0x4d: {  	p0 =	sne.s32 s16, $0x1;
	s16 =	sadd.s32 $0xFFFFFFFF, s16;
	[sflag:s12] =	ssyncadd.s32 $0xFFFFFF80  }
.Ltmp1:
0x4e: {  	(pc) =	sbr.rel @p0 .LBB2_4-.Ltmp1, $3  }
0x4f: {  	_ =	sdelay $0x1  }
0x50: {  	_ =	swait.ge [sflag:s12], $0x80  }
0x51: {  	[sflag:s12] =	ssyncset.done $0x0  }
0x52: {  	s15 =	sadd.s32 $0x1, s15  }
0x53: {  	[sflag:s12] =	ssyncadd.s32 $0xFFFFFF80;
	p0 =	sne.s32 s15, s7  }
.Ltmp2:
0x54: {  	[bflag:$0x0] =	sbarrier.arrive $0xFFFF;
	(pc) =	sbr.rel @p0 .LBB2_1-.Ltmp2, $4  }
0x55: {  	[hbm:s6], [sflag:s13] =	dma.local [spmem:s14], $0x50  }
0x56: {  	_ =	swait.ge [sflag:s9], $0x50  }
0x57: {  	[sflag:s9] =	ssyncset.done $0x0  }
0x58: {  	[sflag:s9] =	ssyncadd.s32 $0xFFFFFFB0  }
0x59: {  	_ =	sfence.sel $0x180000  }
0x5a: {  	[bflag:$0x0] =	sbarrier.arrive $0xFFFF  }
0x5b: {  	p0 =	sne.s32 s1, $0x0;
	_ =	strace $0x90000047  }
0x5c: {  	s0 =	sadd.s32 @!p0 $0x100000, s0;
	[bflag:$0x2] =	sbarrier.arrive $0xFFFF  }
0x5d: {  	[sflag:s0] =	ssyncadd.tile.s32 @!p0 $0x1;
	_ =	shalt  }
.Lfunc_end2:
_tile_overlayer_lowered:
.L_overlay_start_2:
0x5e: {  	(tag) =	ssettag $0x2  }
0x5f: {  	s0 =	rddreg [dreg:$0x0];
	s2 =	stileid.u32  }
0x60: {  	s1 =	rddreg [dreg:$0x1];
	p0 =	sne.s32 s2, $0x0  }
0x61: {  	s3 =	rddreg [dreg:$0x2];
	[bflag:$0x3] =	sbarrier.arrive $0xFFFF;
	s2 =	simm.s32 @!p0 $0x1C02  }
0x62: {  	[timem:s3], [sflag:s2] =	dma.local @!p0 [hbm:s0], s1  }
0x63: {  	s0 =	simm.s32 @!p0 $0x2  }
0x64: {  	_ =	swait.ge @!p0 [sflag:s0], s1  }
0x65: {  	s1 =	ssub.s32 @!p0 $0x0, s1;
	[sflag:s0] =	ssyncset.done @!p0 $0x0  }
0x66: {  	[sflag:s0] =	ssyncadd.s32 @!p0 s1  }
0x67: {  	[bflag:$0x3] =	sbarrier.arrive $0xFFFF  }
0x68: {  	_ =	shalt  }

</sc_bundles>
